<compile_context>
chip_gen: v7x
topology: tpu7x:2x2x1
jax: 0.10.2.dev20260603
libtpu: 0.0.44.dev20260713+nightly
codegen_flags: <defaults>
</compile_context>

<pallas_src>
import jax
import jax.numpy as jnp
from jax import lax
from jax.experimental import pallas as pl
from jax.experimental.pallas import tpu as pltpu
from jax.experimental.pallas import tpu_sc as plsc

VOCAB = 1000000
ACTIVE = 1000000
D = 64
D2 = 2 * D
NB = 4
B = 1024
S = 200
DQK = D // 4
BS = B * S
NIDS = BS * NB

NC, NS = 2, 16
NW = NC * NS
NHALF = 2
NIDS_H = NIDS // NHALF
IDS_PER_W = NIDS_H // NW
CHUNK = 256
NCHUNK = IDS_PER_W // CHUNK


def _sc_gather_body(tab_hbm, idx_hbm, out_hbm,
                    idx_v, rows0, rows1, gsem0, gsem1, wsem0, wsem1):
    wid = lax.axis_index("s") * NC + lax.axis_index("c")
    base = wid * IDS_PER_W
    rows = (rows0, rows1)
    gsem = (gsem0, gsem1)
    wsem = (wsem0, wsem1)

    pltpu.sync_copy(idx_hbm.at[pl.ds(base, IDS_PER_W)], idx_v)

    def idx_at(c):
        return idx_v.at[pl.ds(c * CHUNK, CHUNK)]

    for b in range(2):
        pltpu.async_copy(tab_hbm.at[idx_at(b)], rows[b], gsem[b])

    def step(g, carry):
        for b in range(2):
            c = 2 * g + b
            off = base + c * CHUNK
            pltpu.make_async_copy(tab_hbm.at[idx_at(c)], rows[b], gsem[b]).wait()
            pltpu.async_copy(rows[b], out_hbm.at[pl.ds(off, CHUNK)], wsem[b])

            @pl.when(c + 2 < NCHUNK)
            def _():
                pltpu.make_async_copy(
                    rows[b], out_hbm.at[pl.ds(off, CHUNK)], wsem[b]).wait()
                pltpu.async_copy(tab_hbm.at[idx_at(c + 2)], rows[b], gsem[b])
        return carry

    lax.fori_loop(0, NCHUNK // 2, step, 0)

    for b in range(2):
        c = NCHUNK - 2 + b
        off = base + c * CHUNK
        pltpu.make_async_copy(rows[b], out_hbm.at[pl.ds(off, CHUNK)], wsem[b]).wait()


def _sc_gather(table2, flat_ids):
    k = pl.kernel(
        _sc_gather_body,
        out_type=jax.ShapeDtypeStruct((NIDS_H, D2), jnp.float32),
        mesh=plsc.VectorSubcoreMesh(core_axis_name="c", subcore_axis_name="s"),
        scratch_types=[
            pltpu.VMEM((IDS_PER_W,), jnp.int32),
            pltpu.VMEM((CHUNK, D2), jnp.float32),
            pltpu.VMEM((CHUNK, D2), jnp.float32),
            pltpu.SemaphoreType.DMA,
            pltpu.SemaphoreType.DMA,
            pltpu.SemaphoreType.DMA,
            pltpu.SemaphoreType.DMA,
        ],
    )
    return k(table2, flat_ids)


TBT = 3200
BS_H = BS // NHALF
NBLK = BS_H // TBT
RPB = 16
BH = B // NHALF


def _tc_attn_body(e0_ref, e1_ref, e2_ref, e3_ref, mods_ref, wq_ref, bq_ref,
                  wkt_ref, wo_ref, bo_ref, out_ref):
    f32 = jnp.float32
    mm = lambda a, b: lax.dot_general(a, b, (((1,), (0,)), ((), ())),
                                      preferred_element_type=f32)
    es = (e0_ref[...], e1_ref[...], e2_ref[...], e3_ref[...])
    q = mm(es[0], wq_ref[...]) + bq_ref[...]
    r = mm(q, wkt_ref[...])
    ones = jnp.ones((D2, 1), f32)
    sc = [mm(es[n] * r, ones) * (mods_ref[n] * 0.25) for n in range(NB)]
    m = jnp.maximum(jnp.maximum(sc[0], sc[1]), jnp.maximum(sc[2], sc[3]))
    u = [jnp.exp(s - m) for s in sc]
    rden = 1.0 / (u[0] + u[1] + u[2] + u[3])
    coll = sum((u[n] * rden * mods_ref[n]) * es[n] for n in range(NB))
    out = mm(coll, wo_ref[...]) + bo_ref[...]
    out_ref[...] = out.reshape(RPB, S, D)


def _tc_attn(g, mods, Wq2, bq2, WkT2, Wo2, bo2):
    full = lambda shape: pl.BlockSpec(shape, lambda i: (0,) * len(shape))
    plane = BS_H // TBT
    espec = lambda n: pl.BlockSpec((TBT, D2), lambda i, n=n: (n * plane + i, 0))
    return pl.pallas_call(
        _tc_attn_body,
        grid=(NBLK,),
        in_specs=[
            espec(0), espec(1), espec(2), espec(3),
            pl.BlockSpec(memory_space=pltpu.SMEM),
            full((D2, DQK)),
            full((1, DQK)),
            full((DQK, D2)),
            full((D2, D)),
            full((1, D)),
        ],
        out_specs=pl.BlockSpec((RPB, S, D), lambda i: (i, 0, 0)),
        out_shape=jax.ShapeDtypeStruct((BH, S, D), jnp.float32),
    )(g, g, g, g, mods, Wq2, bq2, WkT2, Wo2, bo2)


def kernel(inputs, table, branch_basis, Wq, bq, Wk, bk, Wo, bo):
    del bk
    dup = jnp.concatenate([jnp.eye(D, dtype=jnp.float32)] * 2, axis=1)
    table2 = lax.dot_general(table, dup, (((1,), (0,)), ((), ())),
                             precision=lax.Precision.HIGHEST,
                             preferred_element_type=jnp.float32)
    ids = jnp.minimum(inputs.reshape(BS, NB), ACTIVE - 1)
    ids_h = ids.reshape(NHALF, BS_H, NB).transpose(0, 2, 1).reshape(NHALF, -1)

    scale = jax.nn.sigmoid(jnp.mean(branch_basis[:NB, :], axis=-1))
    mods = 0.9 + 0.2 * scale

    Wq2 = jnp.concatenate([Wq, Wq], axis=0) * 0.5
    WkT2 = jnp.concatenate([Wk.T, Wk.T], axis=1) * 0.5
    Wo2 = jnp.concatenate([Wo, Wo], axis=0) * 0.5
    bq2 = bq.reshape(1, DQK)
    bo2 = bo.reshape(1, D)

    outs = []
    for h in range(NHALF):
        g = _sc_gather(table2, ids_h[h])
        outs.append(_tc_attn(g, mods, Wq2, bq2, WkT2, Wo2, bo2))
    return jnp.concatenate(outs, axis=0)

# --- scband reference (transcript-rebuilt; emitter-appended) ---
"""Pipeline reference for scband-hdsuperposition-embedding-32762010534134 (READ-ONLY COPY).

The authoritative reference and input builder live on the scoring server;
editing this copy changes nothing except your own understanding.
"""

import jax, jax.numpy as jnp
import numpy as np

VOCAB = 1000000
ACTIVE = 1000000
D = 64
NB = 4
HD = 1024
B = 1024
S = 200
DQK = D // 4


def setup_inputs(seed: int = 0) -> dict:
    key = jax.random.key(seed)
    ks = jax.random.split(key, 10)
    inputs = jax.random.randint(ks[0], (B, S, NB), 0, VOCAB, dtype=jnp.int32)
    table = jax.random.normal(ks[1], (ACTIVE, D), dtype=jnp.float32) * 0.05
    branch_basis = jax.random.normal(ks[2], (NB, HD), dtype=jnp.float32)
    Wq = jax.random.normal(ks[3], (D, DQK), dtype=jnp.float32) * 0.1
    bq = jnp.zeros((DQK,), dtype=jnp.float32)
    Wk = jax.random.normal(ks[4], (D, DQK), dtype=jnp.float32) * 0.1
    bk = jnp.zeros((DQK,), dtype=jnp.float32)
    Wo = jax.random.normal(ks[5], (D, D), dtype=jnp.float32) * 0.1
    bo = jnp.zeros((D,), dtype=jnp.float32)
    return {
        "inputs": inputs,
        "table": table,
        "branch_basis": branch_basis,
        "Wq": Wq,
        "bq": bq,
        "Wk": Wk,
        "bk": bk,
        "Wo": Wo,
        "bo": bo,
    }


def reference(inputs, table, branch_basis, Wq, bq, Wk, bk, Wo, bo):
    # Superposition path: inputs [B, S, NB] token ids, training=False, query=None
    ids = jnp.minimum(inputs, ACTIVE - 1)
    flat_ids = ids.reshape(-1)
    flat_emb = jnp.take(table, flat_ids, axis=0)  # gather: [B*S*NB, D]
    branch_embeddings = flat_emb.reshape(B, S, NB, D)
    # branch modulation from branch_basis
    branch_scale = jnp.mean(branch_basis[:NB, :], axis=-1, keepdims=True)  # [NB,1]
    branch_scale = jax.nn.sigmoid(branch_scale)
    branch_scale = branch_scale.reshape(1, 1, NB, 1)
    modulated = branch_embeddings * (0.9 + 0.2 * branch_scale)
    # query = first branch embedding (query arg is None)
    query = branch_embeddings[:, :, 0, :]  # [B, S, D]
    q = query @ Wq + bq  # [B, S, DQK]
    k = modulated.reshape(B * S, NB, D) @ Wk + bk  # [B*S, NB, DQK]
    q_flat = q.reshape(B * S, DQK)
    attn_scores = jnp.einsum("bnd,bd->bn", k, q_flat)
    attn_scores = attn_scores / jnp.sqrt(jnp.float32(DQK))
    attn_weights = jax.nn.softmax(attn_scores, axis=-1)
    flat_modulated = modulated.reshape(B * S, NB, D)
    collapsed = jnp.einsum("bn,bnd->bd", attn_weights, flat_modulated)
    collapsed = collapsed.reshape(B, S, D)
    output = collapsed @ Wo + bo
    return output

if __name__ == "__main__":
    import jax
    _d = setup_inputs()
    print(jax.jit(kernel)(*tuple(_d.values())))

</pallas_src>

<mosaic_0001>
#map = affine_map<(d0, d1) -> (0, 0)>
#map1 = affine_map<(d0, d1) -> (0)>
module attributes {stable_mosaic.version = 14 : i64} {
  func.func @_sc_gather_body(%arg0: i32, %arg1: i32, %arg2: memref<1000000x128xf32, #tpu.memory_space<hbm>>, %arg3: memref<409600xi32, #tpu.memory_space<hbm>>, %arg4: memref<409600x128xf32, #tpu.memory_space<hbm>>, %arg5: memref<12800xi32, #tpu.memory_space<vmem>>, %arg6: memref<256x128xf32, #tpu.memory_space<vmem>>, %arg7: memref<256x128xf32, #tpu.memory_space<vmem>>, %arg8: memref<!tpu.dma_semaphore, #tpu.memory_space<semaphore_mem>>, %arg9: memref<!tpu.dma_semaphore, #tpu.memory_space<semaphore_mem>>, %arg10: memref<!tpu.dma_semaphore, #tpu.memory_space<semaphore_mem>>, %arg11: memref<!tpu.dma_semaphore, #tpu.memory_space<semaphore_mem>>) attributes {dimension_semantics = [#tpu.dimension_semantics<core_parallel>, #tpu.dimension_semantics<subcore_parallel>], iteration_bounds = array<i64: 2, 16>, scalar_prefetch = 0 : i64, scratch_operands = 7 : i64, tpu.core_type = #tpu.core_type<sc_vector_subcore>, window_params = [{transform_indices = #map}, {transform_indices = #map1}, {transform_indices = #map}]} {
    %mul3A = arith.constant 2 : i32
    %mul3A_0 = arith.muli %arg1, %mul3A : i32
    %add3A = arith.addi %mul3A_0, %arg0 : i32
    %mul3A_1 = arith.constant 12800 : i32
    %mul3A_2 = arith.muli %add3A, %mul3A_1 : i32
    "tpu.region"() ({
      %run_scoped3A = tpu.sem_alloc : memref<!tpu.dma_semaphore, #tpu.memory_space<semaphore_mem>>
      %dma_start3A_28 = tpu.memref_slice %arg3[%mul3A_2] : memref<409600xi32, #tpu.memory_space<hbm>> -> memref<12800xi32, #tpu.memory_space<hbm>>
      %dma_start3A_29 = tpu.memref_slice %arg3[%mul3A_2] : memref<409600xi32, #tpu.memory_space<hbm>> -> memref<12800xi32, #tpu.memory_space<hbm>>
      tpu.enqueue_dma source(%dma_start3A_29 : memref<12800xi32, #tpu.memory_space<hbm>>) target(%arg5 : memref<12800xi32, #tpu.memory_space<vmem>>) target_semaphore(%run_scoped3A : memref<!tpu.dma_semaphore, #tpu.memory_space<semaphore_mem>>)
      %dma_wait3A_30 = tpu.memref_slice %arg3[%mul3A_2] : memref<409600xi32, #tpu.memory_space<hbm>> -> memref<12800xi32, #tpu.memory_space<hbm>>
      %dma_wait3A_31 = tpu.memref_slice %arg3[%mul3A_2] : memref<409600xi32, #tpu.memory_space<hbm>> -> memref<12800xi32, #tpu.memory_space<hbm>>
      tpu.wait_dma2 semaphore(%run_scoped3A : memref<!tpu.dma_semaphore, #tpu.memory_space<semaphore_mem>>) src(%dma_wait3A_31 : memref<12800xi32, #tpu.memory_space<hbm>>) dst(%arg5 : memref<12800xi32, #tpu.memory_space<vmem>>)
      tpu.yield
    }) : () -> ()
    %dma_start3A = arith.constant 0 : i32
    %dma_start3A_3 = tpu.memref_slice %arg5[%dma_start3A] : memref<12800xi32, #tpu.memory_space<vmem>> -> memref<256xi32, #tpu.memory_space<vmem>>
    %dma_start3A_4 = arith.constant 0 : i32
    %dma_start3A_5 = arith.constant 0 : i32
    %dma_start3A_6 = tpu.memref_slice %arg2[%dma_start3A_4, %dma_start3A_5] : memref<1000000x128xf32, #tpu.memory_space<hbm>> -> memref<1000000x128xf32, #tpu.memory_space<hbm>>
    tpu.enqueue_indirect_dma source(%dma_start3A_6 : memref<1000000x128xf32, #tpu.memory_space<hbm>>) target(%arg6 : memref<256x128xf32, #tpu.memory_space<vmem>>) offsets(%dma_start3A_3 : memref<256xi32, #tpu.memory_space<vmem>>) semaphore(%arg8 : memref<!tpu.dma_semaphore, #tpu.memory_space<semaphore_mem>>)
    %dma_start3A_7 = arith.constant 256 : i32
    %dma_start3A_8 = tpu.memref_slice %arg5[%dma_start3A_7] : memref<12800xi32, #tpu.memory_space<vmem>> -> memref<256xi32, #tpu.memory_space<vmem>>
    %dma_start3A_9 = arith.constant 0 : i32
    %dma_start3A_10 = arith.constant 0 : i32
    %dma_start3A_11 = tpu.memref_slice %arg2[%dma_start3A_9, %dma_start3A_10] : memref<1000000x128xf32, #tpu.memory_space<hbm>> -> memref<1000000x128xf32, #tpu.memory_space<hbm>>
    tpu.enqueue_indirect_dma source(%dma_start3A_11 : memref<1000000x128xf32, #tpu.memory_space<hbm>>) target(%arg7 : memref<256x128xf32, #tpu.memory_space<vmem>>) offsets(%dma_start3A_8 : memref<256xi32, #tpu.memory_space<vmem>>) semaphore(%arg9 : memref<!tpu.dma_semaphore, #tpu.memory_space<semaphore_mem>>)
    %scan3A = arith.constant 0 : i32
    %scan3A_12 = arith.constant 0 : i32
    %scan3A_13 = arith.constant 25 : i32
    %scan3A_14 = arith.addi %scan3A_12, %scan3A_13 : i32
    %scan3A_15 = arith.constant 1 : i32
    scf.for %scan3A_28 = %scan3A_12 to %scan3A_14 step %scan3A_15  : i32 {
      %mul3A_29 = arith.constant 2 : i32
      %mul3A_30 = arith.muli %mul3A_29, %scan3A_28 : i32
      %add3A_31 = arith.constant 0 : i32
      %add3A_32 = arith.addi %mul3A_30, %add3A_31 : i32
      %mul3A_33 = arith.constant 256 : i32
      %mul3A_34 = arith.muli %add3A_32, %mul3A_33 : i32
      %add3A_35 = arith.addi %mul3A_2, %mul3A_34 : i32
      %mul3A_36 = arith.constant 256 : i32
      %mul3A_37 = arith.muli %add3A_32, %mul3A_36 : i32
      %dma_wait3A_38 = tpu.memref_slice %arg5[%mul3A_37] : memref<12800xi32, #tpu.memory_space<vmem>> -> memref<256xi32, #tpu.memory_space<vmem>>
      %dma_wait3A_39 = arith.constant 0 : i32
      %dma_wait3A_40 = arith.constant 0 : i32
      %dma_wait3A_41 = tpu.memref_slice %arg2[%dma_wait3A_39, %dma_wait3A_40] : memref<1000000x128xf32, #tpu.memory_space<hbm>> -> memref<1000000x128xf32, #tpu.memory_space<hbm>>
      tpu.wait_indirect_dma semaphore(%arg8 : memref<!tpu.dma_semaphore, #tpu.memory_space<semaphore_mem>>) src(%dma_wait3A_41 : memref<1000000x128xf32, #tpu.memory_space<hbm>>) dst(%arg6 : memref<256x128xf32, #tpu.memory_space<vmem>>)
      %dma_start3A_42 = arith.constant 0 : i32
      %dma_start3A_43 = tpu.memref_slice %arg4[%add3A_35, %dma_start3A_42] : memref<409600x128xf32, #tpu.memory_space<hbm>> -> memref<256x128xf32, #tpu.memory_space<hbm>>
      %dma_start3A_44 = arith.constant 0 : i32
      %dma_start3A_45 = tpu.memref_slice %arg4[%add3A_35, %dma_start3A_44] : memref<409600x128xf32, #tpu.memory_space<hbm>> -> memref<256x128xf32, #tpu.memory_space<hbm>>
      tpu.enqueue_dma source(%arg6 : memref<256x128xf32, #tpu.memory_space<vmem>>) target(%dma_start3A_45 : memref<256x128xf32, #tpu.memory_space<hbm>>) target_semaphore(%arg10 : memref<!tpu.dma_semaphore, #tpu.memory_space<semaphore_mem>>)
      %add3A_46 = arith.constant 2 : i32
      %add3A_47 = arith.addi %add3A_32, %add3A_46 : i32
      %lt3A = arith.constant 50 : i32
      %lt3A_48 = arith.cmpi slt, %add3A_47, %lt3A : i32
      %convert_element_type3A = arith.extui %lt3A_48 : i1 to i32
      %cond3A = arith.constant 0 : i32
      %cond3A_49 = arith.cmpi ne, %convert_element_type3A, %cond3A : i32
      scf.if %cond3A_49 {
        %dma_wait3A_74 = arith.constant 0 : i32
        %dma_wait3A_75 = tpu.memref_slice %arg4[%add3A_35, %dma_wait3A_74] : memref<409600x128xf32, #tpu.memory_space<hbm>> -> memref<256x128xf32, #tpu.memory_space<hbm>>
        %dma_wait3A_76 = arith.constant 0 : i32
        %dma_wait3A_77 = tpu.memref_slice %arg4[%add3A_35, %dma_wait3A_76] : memref<409600x128xf32, #tpu.memory_space<hbm>> -> memref<256x128xf32, #tpu.memory_space<hbm>>
        tpu.wait_dma2 semaphore(%arg10 : memref<!tpu.dma_semaphore, #tpu.memory_space<semaphore_mem>>) src(%arg6 : memref<256x128xf32, #tpu.memory_space<vmem>>) dst(%dma_wait3A_77 : memref<256x128xf32, #tpu.memory_space<hbm>>)
        %add3A_78 = arith.constant 2 : i32
        %add3A_79 = arith.addi %add3A_32, %add3A_78 : i32
        %mul3A_80 = arith.constant 256 : i32
        %mul3A_81 = arith.muli %add3A_79, %mul3A_80 : i32
        %dma_start3A_82 = tpu.memref_slice %arg5[%mul3A_81] : memref<12800xi32, #tpu.memory_space<vmem>> -> memref<256xi32, #tpu.memory_space<vmem>>
        %dma_start3A_83 = arith.constant 0 : i32
        %dma_start3A_84 = arith.constant 0 : i32
        %dma_start3A_85 = tpu.memref_slice %arg2[%dma_start3A_83, %dma_start3A_84] : memref<1000000x128xf32, #tpu.memory_space<hbm>> -> memref<1000000x128xf32, #tpu.memory_space<hbm>>
        tpu.enqueue_indirect_dma source(%dma_start3A_85 : memref<1000000x128xf32, #tpu.memory_space<hbm>>) target(%arg6 : memref<256x128xf32, #tpu.memory_space<vmem>>) offsets(%dma_start3A_82 : memref<256xi32, #tpu.memory_space<vmem>>) semaphore(%arg8 : memref<!tpu.dma_semaphore, #tpu.memory_space<semaphore_mem>>)
      } else {
      }
      %mul3A_50 = arith.constant 2 : i32
      %mul3A_51 = arith.muli %mul3A_50, %scan3A_28 : i32
      %add3A_52 = arith.constant 1 : i32
      %add3A_53 = arith.addi %mul3A_51, %add3A_52 : i32
      %mul3A_54 = arith.constant 256 : i32
      %mul3A_55 = arith.muli %add3A_53, %mul3A_54 : i32
      %add3A_56 = arith.addi %mul3A_2, %mul3A_55 : i32
      %mul3A_57 = arith.constant 256 : i32
      %mul3A_58 = arith.muli %add3A_53, %mul3A_57 : i32
      %dma_wait3A_59 = tpu.memref_slice %arg5[%mul3A_58] : memref<12800xi32, #tpu.memory_space<vmem>> -> memref<256xi32, #tpu.memory_space<vmem>>
      %dma_wait3A_60 = arith.constant 0 : i32
      %dma_wait3A_61 = arith.constant 0 : i32
      %dma_wait3A_62 = tpu.memref_slice %arg2[%dma_wait3A_60, %dma_wait3A_61] : memref<1000000x128xf32, #tpu.memory_space<hbm>> -> memref<1000000x128xf32, #tpu.memory_space<hbm>>
      tpu.wait_indirect_dma semaphore(%arg9 : memref<!tpu.dma_semaphore, #tpu.memory_space<semaphore_mem>>) src(%dma_wait3A_62 : memref<1000000x128xf32, #tpu.memory_space<hbm>>) dst(%arg7 : memref<256x128xf32, #tpu.memory_space<vmem>>)
      %dma_start3A_63 = arith.constant 0 : i32
      %dma_start3A_64 = tpu.memref_slice %arg4[%add3A_56, %dma_start3A_63] : memref<409600x128xf32, #tpu.memory_space<hbm>> -> memref<256x128xf32, #tpu.memory_space<hbm>>
      %dma_start3A_65 = arith.constant 0 : i32
      %dma_start3A_66 = tpu.memref_slice %arg4[%add3A_56, %dma_start3A_65] : memref<409600x128xf32, #tpu.memory_space<hbm>> -> memref<256x128xf32, #tpu.memory_space<hbm>>
      tpu.enqueue_dma source(%arg7 : memref<256x128xf32, #tpu.memory_space<vmem>>) target(%dma_start3A_66 : memref<256x128xf32, #tpu.memory_space<hbm>>) target_semaphore(%arg11 : memref<!tpu.dma_semaphore, #tpu.memory_space<semaphore_mem>>)
      %add3A_67 = arith.constant 2 : i32
      %add3A_68 = arith.addi %add3A_53, %add3A_67 : i32
      %lt3A_69 = arith.constant 50 : i32
      %lt3A_70 = arith.cmpi slt, %add3A_68, %lt3A_69 : i32
      %convert_element_type3A_71 = arith.extui %lt3A_70 : i1 to i32
      %cond3A_72 = arith.constant 0 : i32
      %cond3A_73 = arith.cmpi ne, %convert_element_type3A_71, %cond3A_72 : i32
      scf.if %cond3A_73 {
        %dma_wait3A_74 = arith.constant 0 : i32
        %dma_wait3A_75 = tpu.memref_slice %arg4[%add3A_56, %dma_wait3A_74] : memref<409600x128xf32, #tpu.memory_space<hbm>> -> memref<256x128xf32, #tpu.memory_space<hbm>>
        %dma_wait3A_76 = arith.constant 0 : i32
        %dma_wait3A_77 = tpu.memref_slice %arg4[%add3A_56, %dma_wait3A_76] : memref<409600x128xf32, #tpu.memory_space<hbm>> -> memref<256x128xf32, #tpu.memory_space<hbm>>
        tpu.wait_dma2 semaphore(%arg11 : memref<!tpu.dma_semaphore, #tpu.memory_space<semaphore_mem>>) src(%arg7 : memref<256x128xf32, #tpu.memory_space<vmem>>) dst(%dma_wait3A_77 : memref<256x128xf32, #tpu.memory_space<hbm>>)
        %add3A_78 = arith.constant 2 : i32
        %add3A_79 = arith.addi %add3A_53, %add3A_78 : i32
        %mul3A_80 = arith.constant 256 : i32
        %mul3A_81 = arith.muli %add3A_79, %mul3A_80 : i32
        %dma_start3A_82 = tpu.memref_slice %arg5[%mul3A_81] : memref<12800xi32, #tpu.memory_space<vmem>> -> memref<256xi32, #tpu.memory_space<vmem>>
        %dma_start3A_83 = arith.constant 0 : i32
        %dma_start3A_84 = arith.constant 0 : i32
        %dma_start3A_85 = tpu.memref_slice %arg2[%dma_start3A_83, %dma_start3A_84] : memref<1000000x128xf32, #tpu.memory_space<hbm>> -> memref<1000000x128xf32, #tpu.memory_space<hbm>>
        tpu.enqueue_indirect_dma source(%dma_start3A_85 : memref<1000000x128xf32, #tpu.memory_space<hbm>>) target(%arg7 : memref<256x128xf32, #tpu.memory_space<vmem>>) offsets(%dma_start3A_82 : memref<256xi32, #tpu.memory_space<vmem>>) semaphore(%arg9 : memref<!tpu.dma_semaphore, #tpu.memory_space<semaphore_mem>>)
      } else {
      }
    }
    %scan3A_16 = arith.constant 25 : i32
    %add3A_17 = arith.constant 12288 : i32
    %add3A_18 = arith.addi %mul3A_2, %add3A_17 : i32
    %dma_wait3A = arith.constant 0 : i32
    %dma_wait3A_19 = tpu.memref_slice %arg4[%add3A_18, %dma_wait3A] : memref<409600x128xf32, #tpu.memory_space<hbm>> -> memref<256x128xf32, #tpu.memory_space<hbm>>
    %dma_wait3A_20 = arith.constant 0 : i32
    %dma_wait3A_21 = tpu.memref_slice %arg4[%add3A_18, %dma_wait3A_20] : memref<409600x128xf32, #tpu.memory_space<hbm>> -> memref<256x128xf32, #tpu.memory_space<hbm>>
    tpu.wait_dma2 semaphore(%arg10 : memref<!tpu.dma_semaphore, #tpu.memory_space<semaphore_mem>>) src(%arg6 : memref<256x128xf32, #tpu.memory_space<vmem>>) dst(%dma_wait3A_21 : memref<256x128xf32, #tpu.memory_space<hbm>>)
    %add3A_22 = arith.constant 12544 : i32
    %add3A_23 = arith.addi %mul3A_2, %add3A_22 : i32
    %dma_wait3A_24 = arith.constant 0 : i32
    %dma_wait3A_25 = tpu.memref_slice %arg4[%add3A_23, %dma_wait3A_24] : memref<409600x128xf32, #tpu.memory_space<hbm>> -> memref<256x128xf32, #tpu.memory_space<hbm>>
    %dma_wait3A_26 = arith.constant 0 : i32
    %dma_wait3A_27 = tpu.memref_slice %arg4[%add3A_23, %dma_wait3A_26] : memref<409600x128xf32, #tpu.memory_space<hbm>> -> memref<256x128xf32, #tpu.memory_space<hbm>>
    tpu.wait_dma2 semaphore(%arg11 : memref<!tpu.dma_semaphore, #tpu.memory_space<semaphore_mem>>) src(%arg7 : memref<256x128xf32, #tpu.memory_space<vmem>>) dst(%dma_wait3A_27 : memref<256x128xf32, #tpu.memory_space<hbm>>)
    return
  }
}

#map = affine_map<(d0, d1) -> (0, 0)>
#map1 = affine_map<(d0, d1) -> (0)>
module attributes {stable_mosaic.version = 14 : i64} {
  func.func @_sc_gather_body(%arg0: i32, %arg1: i32, %arg2: memref<1000000x128xf32, #tpu.memory_space<hbm>>, %arg3: memref<409600xi32, #tpu.memory_space<hbm>>, %arg4: memref<409600x128xf32, #tpu.memory_space<hbm>>, %arg5: memref<12800xi32, #tpu.memory_space<vmem>>, %arg6: memref<256x128xf32, #tpu.memory_space<vmem>>, %arg7: memref<256x128xf32, #tpu.memory_space<vmem>>, %arg8: memref<!tpu.dma_semaphore, #tpu.memory_space<semaphore_mem>>, %arg9: memref<!tpu.dma_semaphore, #tpu.memory_space<semaphore_mem>>, %arg10: memref<!tpu.dma_semaphore, #tpu.memory_space<semaphore_mem>>, %arg11: memref<!tpu.dma_semaphore, #tpu.memory_space<semaphore_mem>>) attributes {dimension_semantics = [#tpu.dimension_semantics<core_parallel>, #tpu.dimension_semantics<subcore_parallel>], iteration_bounds = array<i64: 2, 16>, scalar_prefetch = 0 : i64, scratch_operands = 7 : i64, tpu.core_type = #tpu.core_type<sc_vector_subcore>, window_params = [{transform_indices = #map}, {transform_indices = #map1}, {transform_indices = #map}]} {
    %mul3A = arith.constant 2 : i32
    %mul3A_0 = arith.muli %arg1, %mul3A : i32
    %add3A = arith.addi %mul3A_0, %arg0 : i32
    %mul3A_1 = arith.constant 12800 : i32
    %mul3A_2 = arith.muli %add3A, %mul3A_1 : i32
    "tpu.region"() ({
      %run_scoped3A = tpu.sem_alloc : memref<!tpu.dma_semaphore, #tpu.memory_space<semaphore_mem>>
      %dma_start3A_28 = tpu.memref_slice %arg3[%mul3A_2] : memref<409600xi32, #tpu.memory_space<hbm>> -> memref<12800xi32, #tpu.memory_space<hbm>>
      %dma_start3A_29 = tpu.memref_slice %arg3[%mul3A_2] : memref<409600xi32, #tpu.memory_space<hbm>> -> memref<12800xi32, #tpu.memory_space<hbm>>
      tpu.enqueue_dma source(%dma_start3A_29 : memref<12800xi32, #tpu.memory_space<hbm>>) target(%arg5 : memref<12800xi32, #tpu.memory_space<vmem>>) target_semaphore(%run_scoped3A : memref<!tpu.dma_semaphore, #tpu.memory_space<semaphore_mem>>)
      %dma_wait3A_30 = tpu.memref_slice %arg3[%mul3A_2] : memref<409600xi32, #tpu.memory_space<hbm>> -> memref<12800xi32, #tpu.memory_space<hbm>>
      %dma_wait3A_31 = tpu.memref_slice %arg3[%mul3A_2] : memref<409600xi32, #tpu.memory_space<hbm>> -> memref<12800xi32, #tpu.memory_space<hbm>>
      tpu.wait_dma2 semaphore(%run_scoped3A : memref<!tpu.dma_semaphore, #tpu.memory_space<semaphore_mem>>) src(%dma_wait3A_31 : memref<12800xi32, #tpu.memory_space<hbm>>) dst(%arg5 : memref<12800xi32, #tpu.memory_space<vmem>>)
      tpu.yield
    }) : () -> ()
    %dma_start3A = arith.constant 0 : i32
    %dma_start3A_3 = tpu.memref_slice %arg5[%dma_start3A] : memref<12800xi32, #tpu.memory_space<vmem>> -> memref<256xi32, #tpu.memory_space<vmem>>
    %dma_start3A_4 = arith.constant 0 : i32
    %dma_start3A_5 = arith.constant 0 : i32
    %dma_start3A_6 = tpu.memref_slice %arg2[%dma_start3A_4, %dma_start3A_5] : memref<1000000x128xf32, #tpu.memory_space<hbm>> -> memref<1000000x128xf32, #tpu.memory_space<hbm>>
    tpu.enqueue_indirect_dma source(%dma_start3A_6 : memref<1000000x128xf32, #tpu.memory_space<hbm>>) target(%arg6 : memref<256x128xf32, #tpu.memory_space<vmem>>) offsets(%dma_start3A_3 : memref<256xi32, #tpu.memory_space<vmem>>) semaphore(%arg8 : memref<!tpu.dma_semaphore, #tpu.memory_space<semaphore_mem>>)
    %dma_start3A_7 = arith.constant 256 : i32
    %dma_start3A_8 = tpu.memref_slice %arg5[%dma_start3A_7] : memref<12800xi32, #tpu.memory_space<vmem>> -> memref<256xi32, #tpu.memory_space<vmem>>
    %dma_start3A_9 = arith.constant 0 : i32
    %dma_start3A_10 = arith.constant 0 : i32
    %dma_start3A_11 = tpu.memref_slice %arg2[%dma_start3A_9, %dma_start3A_10] : memref<1000000x128xf32, #tpu.memory_space<hbm>> -> memref<1000000x128xf32, #tpu.memory_space<hbm>>
    tpu.enqueue_indirect_dma source(%dma_start3A_11 : memref<1000000x128xf32, #tpu.memory_space<hbm>>) target(%arg7 : memref<256x128xf32, #tpu.memory_space<vmem>>) offsets(%dma_start3A_8 : memref<256xi32, #tpu.memory_space<vmem>>) semaphore(%arg9 : memref<!tpu.dma_semaphore, #tpu.memory_space<semaphore_mem>>)
    %scan3A = arith.constant 0 : i32
    %scan3A_12 = arith.constant 0 : i32
    %scan3A_13 = arith.constant 25 : i32
    %scan3A_14 = arith.addi %scan3A_12, %scan3A_13 : i32
    %scan3A_15 = arith.constant 1 : i32
    scf.for %scan3A_28 = %scan3A_12 to %scan3A_14 step %scan3A_15  : i32 {
      %mul3A_29 = arith.constant 2 : i32
      %mul3A_30 = arith.muli %mul3A_29, %scan3A_28 : i32
      %add3A_31 = arith.constant 0 : i32
      %add3A_32 = arith.addi %mul3A_30, %add3A_31 : i32
      %mul3A_33 = arith.constant 256 : i32
      %mul3A_34 = arith.muli %add3A_32, %mul3A_33 : i32
      %add3A_35 = arith.addi %mul3A_2, %mul3A_34 : i32
      %mul3A_36 = arith.constant 256 : i32
      %mul3A_37 = arith.muli %add3A_32, %mul3A_36 : i32
      %dma_wait3A_38 = tpu.memref_slice %arg5[%mul3A_37] : memref<12800xi32, #tpu.memory_space<vmem>> -> memref<256xi32, #tpu.memory_space<vmem>>
      %dma_wait3A_39 = arith.constant 0 : i32
      %dma_wait3A_40 = arith.constant 0 : i32
      %dma_wait3A_41 = tpu.memref_slice %arg2[%dma_wait3A_39, %dma_wait3A_40] : memref<1000000x128xf32, #tpu.memory_space<hbm>> -> memref<1000000x128xf32, #tpu.memory_space<hbm>>
      tpu.wait_indirect_dma semaphore(%arg8 : memref<!tpu.dma_semaphore, #tpu.memory_space<semaphore_mem>>) src(%dma_wait3A_41 : memref<1000000x128xf32, #tpu.memory_space<hbm>>) dst(%arg6 : memref<256x128xf32, #tpu.memory_space<vmem>>)
      %dma_start3A_42 = arith.constant 0 : i32
      %dma_start3A_43 = tpu.memref_slice %arg4[%add3A_35, %dma_start3A_42] : memref<409600x128xf32, #tpu.memory_space<hbm>> -> memref<256x128xf32, #tpu.memory_space<hbm>>
      %dma_start3A_44 = arith.constant 0 : i32
      %dma_start3A_45 = tpu.memref_slice %arg4[%add3A_35, %dma_start3A_44] : memref<409600x128xf32, #tpu.memory_space<hbm>> -> memref<256x128xf32, #tpu.memory_space<hbm>>
      tpu.enqueue_dma source(%arg6 : memref<256x128xf32, #tpu.memory_space<vmem>>) target(%dma_start3A_45 : memref<256x128xf32, #tpu.memory_space<hbm>>) target_semaphore(%arg10 : memref<!tpu.dma_semaphore, #tpu.memory_space<semaphore_mem>>)
      %add3A_46 = arith.constant 2 : i32
      %add3A_47 = arith.addi %add3A_32, %add3A_46 : i32
      %lt3A = arith.constant 50 : i32
      %lt3A_48 = arith.cmpi slt, %add3A_47, %lt3A : i32
      %convert_element_type3A = arith.extui %lt3A_48 : i1 to i32
      %cond3A = arith.constant 0 : i32
      %cond3A_49 = arith.cmpi ne, %convert_element_type3A, %cond3A : i32
      scf.if %cond3A_49 {
        %dma_wait3A_74 = arith.constant 0 : i32
        %dma_wait3A_75 = tpu.memref_slice %arg4[%add3A_35, %dma_wait3A_74] : memref<409600x128xf32, #tpu.memory_space<hbm>> -> memref<256x128xf32, #tpu.memory_space<hbm>>
        %dma_wait3A_76 = arith.constant 0 : i32
        %dma_wait3A_77 = tpu.memref_slice %arg4[%add3A_35, %dma_wait3A_76] : memref<409600x128xf32, #tpu.memory_space<hbm>> -> memref<256x128xf32, #tpu.memory_space<hbm>>
        tpu.wait_dma2 semaphore(%arg10 : memref<!tpu.dma_semaphore, #tpu.memory_space<semaphore_mem>>) src(%arg6 : memref<256x128xf32, #tpu.memory_space<vmem>>) dst(%dma_wait3A_77 : memref<256x128xf32, #tpu.memory_space<hbm>>)
        %add3A_78 = arith.constant 2 : i32
        %add3A_79 = arith.addi %add3A_32, %add3A_78 : i32
        %mul3A_80 = arith.constant 256 : i32
        %mul3A_81 = arith.muli %add3A_79, %mul3A_80 : i32
        %dma_start3A_82 = tpu.memref_slice %arg5[%mul3A_81] : memref<12800xi32, #tpu.memory_space<vmem>> -> memref<256xi32, #tpu.memory_space<vmem>>
        %dma_start3A_83 = arith.constant 0 : i32
        %dma_start3A_84 = arith.constant 0 : i32
        %dma_start3A_85 = tpu.memref_slice %arg2[%dma_start3A_83, %dma_start3A_84] : memref<1000000x128xf32, #tpu.memory_space<hbm>> -> memref<1000000x128xf32, #tpu.memory_space<hbm>>
        tpu.enqueue_indirect_dma source(%dma_start3A_85 : memref<1000000x128xf32, #tpu.memory_space<hbm>>) target(%arg6 : memref<256x128xf32, #tpu.memory_space<vmem>>) offsets(%dma_start3A_82 : memref<256xi32, #tpu.memory_space<vmem>>) semaphore(%arg8 : memref<!tpu.dma_semaphore, #tpu.memory_space<semaphore_mem>>)
      } else {
      }
      %mul3A_50 = arith.constant 2 : i32
      %mul3A_51 = arith.muli %mul3A_50, %scan3A_28 : i32
      %add3A_52 = arith.constant 1 : i32
      %add3A_53 = arith.addi %mul3A_51, %add3A_52 : i32
      %mul3A_54 = arith.constant 256 : i32
      %mul3A_55 = arith.muli %add3A_53, %mul3A_54 : i32
      %add3A_56 = arith.addi %mul3A_2, %mul3A_55 : i32
      %mul3A_57 = arith.constant 256 : i32
      %mul3A_58 = arith.muli %add3A_53, %mul3A_57 : i32
      %dma_wait3A_59 = tpu.memref_slice %arg5[%mul3A_58] : memref<12800xi32, #tpu.memory_space<vmem>> -> memref<256xi32, #tpu.memory_space<vmem>>
      %dma_wait3A_60 = arith.constant 0 : i32
      %dma_wait3A_61 = arith.constant 0 : i32
      %dma_wait3A_62 = tpu.memref_slice %arg2[%dma_wait3A_60, %dma_wait3A_61] : memref<1000000x128xf32, #tpu.memory_space<hbm>> -> memref<1000000x128xf32, #tpu.memory_space<hbm>>
      tpu.wait_indirect_dma semaphore(%arg9 : memref<!tpu.dma_semaphore, #tpu.memory_space<semaphore_mem>>) src(%dma_wait3A_62 : memref<1000000x128xf32, #tpu.memory_space<hbm>>) dst(%arg7 : memref<256x128xf32, #tpu.memory_space<vmem>>)
      %dma_start3A_63 = arith.constant 0 : i32
      %dma_start3A_64 = tpu.memref_slice %arg4[%add3A_56, %dma_start3A_63] : memref<409600x128xf32, #tpu.memory_space<hbm>> -> memref<256x128xf32, #tpu.memory_space<hbm>>
      %dma_start3A_65 = arith.constant 0 : i32
      %dma_start3A_66 = tpu.memref_slice %arg4[%add3A_56, %dma_start3A_65] : memref<409600x128xf32, #tpu.memory_space<hbm>> -> memref<256x128xf32, #tpu.memory_space<hbm>>
      tpu.enqueue_dma source(%arg7 : memref<256x128xf32, #tpu.memory_space<vmem>>) target(%dma_start3A_66 : memref<256x128xf32, #tpu.memory_space<hbm>>) target_semaphore(%arg11 : memref<!tpu.dma_semaphore, #tpu.memory_space<semaphore_mem>>)
      %add3A_67 = arith.constant 2 : i32
      %add3A_68 = arith.addi %add3A_53, %add3A_67 : i32
      %lt3A_69 = arith.constant 50 : i32
      %lt3A_70 = arith.cmpi slt, %add3A_68, %lt3A_69 : i32
      %convert_element_type3A_71 = arith.extui %lt3A_70 : i1 to i32
      %cond3A_72 = arith.constant 0 : i32
      %cond3A_73 = arith.cmpi ne, %convert_element_type3A_71, %cond3A_72 : i32
      scf.if %cond3A_73 {
        %dma_wait3A_74 = arith.constant 0 : i32
        %dma_wait3A_75 = tpu.memref_slice %arg4[%add3A_56, %dma_wait3A_74] : memref<409600x128xf32, #tpu.memory_space<hbm>> -> memref<256x128xf32, #tpu.memory_space<hbm>>
        %dma_wait3A_76 = arith.constant 0 : i32
        %dma_wait3A_77 = tpu.memref_slice %arg4[%add3A_56, %dma_wait3A_76] : memref<409600x128xf32, #tpu.memory_space<hbm>> -> memref<256x128xf32, #tpu.memory_space<hbm>>
        tpu.wait_dma2 semaphore(%arg11 : memref<!tpu.dma_semaphore, #tpu.memory_space<semaphore_mem>>) src(%arg7 : memref<256x128xf32, #tpu.memory_space<vmem>>) dst(%dma_wait3A_77 : memref<256x128xf32, #tpu.memory_space<hbm>>)
        %add3A_78 = arith.constant 2 : i32
        %add3A_79 = arith.addi %add3A_53, %add3A_78 : i32
        %mul3A_80 = arith.constant 256 : i32
        %mul3A_81 = arith.muli %add3A_79, %mul3A_80 : i32
        %dma_start3A_82 = tpu.memref_slice %arg5[%mul3A_81] : memref<12800xi32, #tpu.memory_space<vmem>> -> memref<256xi32, #tpu.memory_space<vmem>>
        %dma_start3A_83 = arith.constant 0 : i32
        %dma_start3A_84 = arith.constant 0 : i32
        %dma_start3A_85 = tpu.memref_slice %arg2[%dma_start3A_83, %dma_start3A_84] : memref<1000000x128xf32, #tpu.memory_space<hbm>> -> memref<1000000x128xf32, #tpu.memory_space<hbm>>
        tpu.enqueue_indirect_dma source(%dma_start3A_85 : memref<1000000x128xf32, #tpu.memory_space<hbm>>) target(%arg7 : memref<256x128xf32, #tpu.memory_space<vmem>>) offsets(%dma_start3A_82 : memref<256xi32, #tpu.memory_space<vmem>>) semaphore(%arg9 : memref<!tpu.dma_semaphore, #tpu.memory_space<semaphore_mem>>)
      } else {
      }
    }
    %scan3A_16 = arith.constant 25 : i32
    %add3A_17 = arith.constant 12288 : i32
    %add3A_18 = arith.addi %mul3A_2, %add3A_17 : i32
    %dma_wait3A = arith.constant 0 : i32
    %dma_wait3A_19 = tpu.memref_slice %arg4[%add3A_18, %dma_wait3A] : memref<409600x128xf32, #tpu.memory_space<hbm>> -> memref<256x128xf32, #tpu.memory_space<hbm>>
    %dma_wait3A_20 = arith.constant 0 : i32
    %dma_wait3A_21 = tpu.memref_slice %arg4[%add3A_18, %dma_wait3A_20] : memref<409600x128xf32, #tpu.memory_space<hbm>> -> memref<256x128xf32, #tpu.memory_space<hbm>>
    tpu.wait_dma2 semaphore(%arg10 : memref<!tpu.dma_semaphore, #tpu.memory_space<semaphore_mem>>) src(%arg6 : memref<256x128xf32, #tpu.memory_space<vmem>>) dst(%dma_wait3A_21 : memref<256x128xf32, #tpu.memory_space<hbm>>)
    %add3A_22 = arith.constant 12544 : i32
    %add3A_23 = arith.addi %mul3A_2, %add3A_22 : i32
    %dma_wait3A_24 = arith.constant 0 : i32
    %dma_wait3A_25 = tpu.memref_slice %arg4[%add3A_23, %dma_wait3A_24] : memref<409600x128xf32, #tpu.memory_space<hbm>> -> memref<256x128xf32, #tpu.memory_space<hbm>>
    %dma_wait3A_26 = arith.constant 0 : i32
    %dma_wait3A_27 = tpu.memref_slice %arg4[%add3A_23, %dma_wait3A_26] : memref<409600x128xf32, #tpu.memory_space<hbm>> -> memref<256x128xf32, #tpu.memory_space<hbm>>
    tpu.wait_dma2 semaphore(%arg11 : memref<!tpu.dma_semaphore, #tpu.memory_space<semaphore_mem>>) src(%arg7 : memref<256x128xf32, #tpu.memory_space<vmem>>) dst(%dma_wait3A_27 : memref<256x128xf32, #tpu.memory_space<hbm>>)
    return
  }
}

module attributes {stable_mosaic.version = 14 : i64} {
  func.func @_tc_attn_body(%arg0: i32, %arg1: memref<3200x128xf32, #tpu.memory_space<vmem>>, %arg2: memref<3200x128xf32, #tpu.memory_space<vmem>>, %arg3: memref<3200x128xf32, #tpu.memory_space<vmem>>, %arg4: memref<3200x128xf32, #tpu.memory_space<vmem>>, %arg5: memref<4xf32, #tpu.memory_space<smem>>, %arg6: memref<128x16xf32, #tpu.memory_space<vmem>>, %arg7: memref<1x16xf32, #tpu.memory_space<vmem>>, %arg8: memref<16x128xf32, #tpu.memory_space<vmem>>, %arg9: memref<128x64xf32, #tpu.memory_space<vmem>>, %arg10: memref<1x64xf32, #tpu.memory_space<vmem>>, %arg11: memref<16x200x64xf32, #tpu.memory_space<vmem>>) attributes {dimension_semantics = [#tpu.dimension_semantics<arbitrary>], iteration_bounds = array<i64: 32>, scalar_prefetch = 0 : i64, scratch_operands = 0 : i64, tpu.core_type = #tpu.core_type<tc>, window_params = [{transform_indices = @transform_0, window_bounds = array<i64: 3200, 128>}, {transform_indices = @transform_1, window_bounds = array<i64: 3200, 128>}, {transform_indices = @transform_2, window_bounds = array<i64: 3200, 128>}, {transform_indices = @transform_3, window_bounds = array<i64: 3200, 128>}, {transform_indices = @transform_4, window_bounds = array<i64: 4>}, {pipeline_mode = #tpu.pipeline_mode<synchronous>, transform_indices = @transform_5, window_bounds = array<i64: 128, 16>}, {pipeline_mode = #tpu.pipeline_mode<synchronous>, transform_indices = @transform_6, window_bounds = array<i64: 1, 16>}, {pipeline_mode = #tpu.pipeline_mode<synchronous>, transform_indices = @transform_7, window_bounds = array<i64: 16, 128>}, {pipeline_mode = #tpu.pipeline_mode<synchronous>, transform_indices = @transform_8, window_bounds = array<i64: 128, 64>}, {pipeline_mode = #tpu.pipeline_mode<synchronous>, transform_indices = @transform_9, window_bounds = array<i64: 1, 64>}, {transform_indices = @transform_10, window_bounds = array<i64: 16, 200, 64>}]} {
    %get3A = arith.constant 0 : index
    %get3A_0 = arith.constant 0 : index
    %get3A_1 = vector.load %arg1[%get3A, %get3A_0] : memref<3200x128xf32, #tpu.memory_space<vmem>>, vector<3200x128xf32>
    %get3A_2 = arith.constant 0 : index
    %get3A_3 = arith.constant 0 : index
    %get3A_4 = vector.load %arg2[%get3A_2, %get3A_3] : memref<3200x128xf32, #tpu.memory_space<vmem>>, vector<3200x128xf32>
    %get3A_5 = arith.constant 0 : index
    %get3A_6 = arith.constant 0 : index
    %get3A_7 = vector.load %arg3[%get3A_5, %get3A_6] : memref<3200x128xf32, #tpu.memory_space<vmem>>, vector<3200x128xf32>
    %get3A_8 = arith.constant 0 : index
    %get3A_9 = arith.constant 0 : index
    %get3A_10 = vector.load %arg4[%get3A_8, %get3A_9] : memref<3200x128xf32, #tpu.memory_space<vmem>>, vector<3200x128xf32>
    %get3A_11 = arith.constant 0 : index
    %get3A_12 = arith.constant 0 : index
    %get3A_13 = vector.load %arg6[%get3A_11, %get3A_12] : memref<128x16xf32, #tpu.memory_space<vmem>>, vector<128x16xf32>
    %dot_general3A = arith.constant dense<0.000000e+00> : vector<3200x16xf32>
    %dot_general3A_14 = tpu.matmul %get3A_1, %get3A_13, %dot_general3A {dimension_numbers = #tpu.dot_dimension_numbers<[1], [0], [0], [1], [0, 0, 1, 1], [], []>, transpose_lhs_hint = false} : vector<3200x128xf32>, vector<128x16xf32>, vector<3200x16xf32> -> vector<3200x16xf32>
    %get3A_15 = arith.constant 0 : index
    %get3A_16 = arith.constant 0 : index
    %get3A_17 = vector.load %arg7[%get3A_15, %get3A_16] : memref<1x16xf32, #tpu.memory_space<vmem>>, vector<1x16xf32>
    %add3A = vector.broadcast %get3A_17 : vector<1x16xf32> to vector<3200x16xf32>
    %add3A_18 = arith.addf %dot_general3A_14, %add3A : vector<3200x16xf32>
    %get3A_19 = arith.constant 0 : index
    %get3A_20 = arith.constant 0 : index
    %get3A_21 = vector.load %arg8[%get3A_19, %get3A_20] : memref<16x128xf32, #tpu.memory_space<vmem>>, vector<16x128xf32>
    %dot_general3A_22 = arith.constant dense<0.000000e+00> : vector<3200x128xf32>
    %dot_general3A_23 = tpu.matmul %add3A_18, %get3A_21, %dot_general3A_22 {dimension_numbers = #tpu.dot_dimension_numbers<[1], [0], [0], [1], [0, 0, 1, 1], [], []>, transpose_lhs_hint = false} : vector<3200x16xf32>, vector<16x128xf32>, vector<3200x128xf32> -> vector<3200x128xf32>
    %broadcast_in_dim3A = arith.constant 1.000000e+00 : f32
    %broadcast_in_dim3A_24 = vector.broadcast %broadcast_in_dim3A : f32 to vector<128x1xf32>
    %mul3A = arith.mulf %get3A_1, %dot_general3A_23 : vector<3200x128xf32>
    %dot_general3A_25 = arith.constant dense<0.000000e+00> : vector<3200x1xf32>
    %dot_general3A_26 = tpu.matmul %mul3A, %broadcast_in_dim3A_24, %dot_general3A_25 {dimension_numbers = #tpu.dot_dimension_numbers<[1], [0], [0], [1], [0, 0, 1, 1], [], []>, transpose_lhs_hint = false} : vector<3200x128xf32>, vector<128x1xf32>, vector<3200x1xf32> -> vector<3200x1xf32>
    %get3A_27 = arith.constant 0 : index
    %get3A_28 = memref.load %arg5[%get3A_27] : memref<4xf32, #tpu.memory_space<smem>>
    %mul3A_29 = arith.constant 2.500000e-01 : f32
    %mul3A_30 = arith.mulf %get3A_28, %mul3A_29 : f32
    %mul3A_31 = vector.broadcast %mul3A_30 : f32 to vector<3200x1xf32>
    %mul3A_32 = arith.mulf %dot_general3A_26, %mul3A_31 : vector<3200x1xf32>
    %mul3A_33 = arith.mulf %get3A_4, %dot_general3A_23 : vector<3200x128xf32>
    %dot_general3A_34 = arith.constant dense<0.000000e+00> : vector<3200x1xf32>
    %dot_general3A_35 = tpu.matmul %mul3A_33, %broadcast_in_dim3A_24, %dot_general3A_34 {dimension_numbers = #tpu.dot_dimension_numbers<[1], [0], [0], [1], [0, 0, 1, 1], [], []>, transpose_lhs_hint = false} : vector<3200x128xf32>, vector<128x1xf32>, vector<3200x1xf32> -> vector<3200x1xf32>
    %get3A_36 = arith.constant 1 : index
    %get3A_37 = memref.load %arg5[%get3A_36] : memref<4xf32, #tpu.memory_space<smem>>
    %mul3A_38 = arith.constant 2.500000e-01 : f32
    %mul3A_39 = arith.mulf %get3A_37, %mul3A_38 : f32
    %mul3A_40 = vector.broadcast %mul3A_39 : f32 to vector<3200x1xf32>
    %mul3A_41 = arith.mulf %dot_general3A_35, %mul3A_40 : vector<3200x1xf32>
    %mul3A_42 = arith.mulf %get3A_7, %dot_general3A_23 : vector<3200x128xf32>
    %dot_general3A_43 = arith.constant dense<0.000000e+00> : vector<3200x1xf32>
    %dot_general3A_44 = tpu.matmul %mul3A_42, %broadcast_in_dim3A_24, %dot_general3A_43 {dimension_numbers = #tpu.dot_dimension_numbers<[1], [0], [0], [1], [0, 0, 1, 1], [], []>, transpose_lhs_hint = false} : vector<3200x128xf32>, vector<128x1xf32>, vector<3200x1xf32> -> vector<3200x1xf32>
    %get3A_45 = arith.constant 2 : index
    %get3A_46 = memref.load %arg5[%get3A_45] : memref<4xf32, #tpu.memory_space<smem>>
    %mul3A_47 = arith.constant 2.500000e-01 : f32
    %mul3A_48 = arith.mulf %get3A_46, %mul3A_47 : f32
    %mul3A_49 = vector.broadcast %mul3A_48 : f32 to vector<3200x1xf32>
    %mul3A_50 = arith.mulf %dot_general3A_44, %mul3A_49 : vector<3200x1xf32>
    %mul3A_51 = arith.mulf %get3A_10, %dot_general3A_23 : vector<3200x128xf32>
    %dot_general3A_52 = arith.constant dense<0.000000e+00> : vector<3200x1xf32>
    %dot_general3A_53 = tpu.matmul %mul3A_51, %broadcast_in_dim3A_24, %dot_general3A_52 {dimension_numbers = #tpu.dot_dimension_numbers<[1], [0], [0], [1], [0, 0, 1, 1], [], []>, transpose_lhs_hint = false} : vector<3200x128xf32>, vector<128x1xf32>, vector<3200x1xf32> -> vector<3200x1xf32>
    %get3A_54 = arith.constant 3 : index
    %get3A_55 = memref.load %arg5[%get3A_54] : memref<4xf32, #tpu.memory_space<smem>>
    %mul3A_56 = arith.constant 2.500000e-01 : f32
    %mul3A_57 = arith.mulf %get3A_55, %mul3A_56 : f32
    %mul3A_58 = vector.broadcast %mul3A_57 : f32 to vector<3200x1xf32>
    %mul3A_59 = arith.mulf %dot_general3A_53, %mul3A_58 : vector<3200x1xf32>
    %max3A = arith.maximumf %mul3A_32, %mul3A_41 : vector<3200x1xf32>
    %max3A_60 = arith.maximumf %mul3A_50, %mul3A_59 : vector<3200x1xf32>
    %max3A_61 = arith.maximumf %max3A, %max3A_60 : vector<3200x1xf32>
    %sub3A = arith.subf %mul3A_32, %max3A_61 : vector<3200x1xf32>
    %exp3A = math.exp %sub3A : vector<3200x1xf32>
    %sub3A_62 = arith.subf %mul3A_41, %max3A_61 : vector<3200x1xf32>
    %exp3A_63 = math.exp %sub3A_62 : vector<3200x1xf32>
    %sub3A_64 = arith.subf %mul3A_50, %max3A_61 : vector<3200x1xf32>
    %exp3A_65 = math.exp %sub3A_64 : vector<3200x1xf32>
    %sub3A_66 = arith.subf %mul3A_59, %max3A_61 : vector<3200x1xf32>
    %exp3A_67 = math.exp %sub3A_66 : vector<3200x1xf32>
    %add3A_68 = arith.addf %exp3A, %exp3A_63 : vector<3200x1xf32>
    %add3A_69 = arith.addf %add3A_68, %exp3A_65 : vector<3200x1xf32>
    %add3A_70 = arith.addf %add3A_69, %exp3A_67 : vector<3200x1xf32>
    %div3A = arith.constant 1.000000e+00 : f32
    %div3A_71 = vector.broadcast %div3A : f32 to vector<3200x1xf32>
    %div3A_72 = arith.divf %div3A_71, %add3A_70 : vector<3200x1xf32>
    %mul3A_73 = arith.mulf %exp3A, %div3A_72 : vector<3200x1xf32>
    %get3A_74 = arith.constant 0 : index
    %get3A_75 = memref.load %arg5[%get3A_74] : memref<4xf32, #tpu.memory_space<smem>>
    %mul3A_76 = vector.broadcast %get3A_75 : f32 to vector<3200x1xf32>
    %mul3A_77 = arith.mulf %mul3A_73, %mul3A_76 : vector<3200x1xf32>
    %mul3A_78 = vector.broadcast %mul3A_77 : vector<3200x1xf32> to vector<3200x128xf32>
    %mul3A_79 = arith.mulf %mul3A_78, %get3A_1 : vector<3200x128xf32>
    %add3A_80 = arith.constant 0.000000e+00 : f32
    %add3A_81 = vector.broadcast %add3A_80 : f32 to vector<3200x128xf32>
    %add3A_82 = arith.addf %add3A_81, %mul3A_79 : vector<3200x128xf32>
    %mul3A_83 = arith.mulf %exp3A_63, %div3A_72 : vector<3200x1xf32>
    %get3A_84 = arith.constant 1 : index
    %get3A_85 = memref.load %arg5[%get3A_84] : memref<4xf32, #tpu.memory_space<smem>>
    %mul3A_86 = vector.broadcast %get3A_85 : f32 to vector<3200x1xf32>
    %mul3A_87 = arith.mulf %mul3A_83, %mul3A_86 : vector<3200x1xf32>
    %mul3A_88 = vector.broadcast %mul3A_87 : vector<3200x1xf32> to vector<3200x128xf32>
    %mul3A_89 = arith.mulf %mul3A_88, %get3A_4 : vector<3200x128xf32>
    %add3A_90 = arith.addf %add3A_82, %mul3A_89 : vector<3200x128xf32>
    %mul3A_91 = arith.mulf %exp3A_65, %div3A_72 : vector<3200x1xf32>
    %get3A_92 = arith.constant 2 : index
    %get3A_93 = memref.load %arg5[%get3A_92] : memref<4xf32, #tpu.memory_space<smem>>
    %mul3A_94 = vector.broadcast %get3A_93 : f32 to vector<3200x1xf32>
    %mul3A_95 = arith.mulf %mul3A_91, %mul3A_94 : vector<3200x1xf32>
    %mul3A_96 = vector.broadcast %mul3A_95 : vector<3200x1xf32> to vector<3200x128xf32>
    %mul3A_97 = arith.mulf %mul3A_96, %get3A_7 : vector<3200x128xf32>
    %add3A_98 = arith.addf %add3A_90, %mul3A_97 : vector<3200x128xf32>
    %mul3A_99 = arith.mulf %exp3A_67, %div3A_72 : vector<3200x1xf32>
    %get3A_100 = arith.constant 3 : index
    %get3A_101 = memref.load %arg5[%get3A_100] : memref<4xf32, #tpu.memory_space<smem>>
    %mul3A_102 = vector.broadcast %get3A_101 : f32 to vector<3200x1xf32>
    %mul3A_103 = arith.mulf %mul3A_99, %mul3A_102 : vector<3200x1xf32>
    %mul3A_104 = vector.broadcast %mul3A_103 : vector<3200x1xf32> to vector<3200x128xf32>
    %mul3A_105 = arith.mulf %mul3A_104, %get3A_10 : vector<3200x128xf32>
    %add3A_106 = arith.addf %add3A_98, %mul3A_105 : vector<3200x128xf32>
    %get3A_107 = arith.constant 0 : index
    %get3A_108 = arith.constant 0 : index
    %get3A_109 = vector.load %arg9[%get3A_107, %get3A_108] : memref<128x64xf32, #tpu.memory_space<vmem>>, vector<128x64xf32>
    %dot_general3A_110 = arith.constant dense<0.000000e+00> : vector<3200x64xf32>
    %dot_general3A_111 = tpu.matmul %add3A_106, %get3A_109, %dot_general3A_110 {dimension_numbers = #tpu.dot_dimension_numbers<[1], [0], [0], [1], [0, 0, 1, 1], [], []>, transpose_lhs_hint = false} : vector<3200x128xf32>, vector<128x64xf32>, vector<3200x64xf32> -> vector<3200x64xf32>
    %get3A_112 = arith.constant 0 : index
    %get3A_113 = arith.constant 0 : index
    %get3A_114 = vector.load %arg10[%get3A_112, %get3A_113] : memref<1x64xf32, #tpu.memory_space<vmem>>, vector<1x64xf32>
    %add3A_115 = vector.broadcast %get3A_114 : vector<1x64xf32> to vector<3200x64xf32>
    %add3A_116 = arith.addf %dot_general3A_111, %add3A_115 : vector<3200x64xf32>
    %reshape3A = vector.shape_cast %add3A_116 : vector<3200x64xf32> to vector<16x200x64xf32>
    %swap3A = arith.constant 0 : index
    %swap3A_117 = arith.constant 0 : index
    %swap3A_118 = arith.constant 0 : index
    %swap3A_119 = vector.load %arg11[%swap3A, %swap3A_117, %swap3A_118] : memref<16x200x64xf32, #tpu.memory_space<vmem>>, vector<16x200x64xf32>
    tpu.vector_store %arg11[%swap3A, %swap3A_117, %swap3A_118], %reshape3A {strides = array<i32>} : memref<16x200x64xf32, #tpu.memory_space<vmem>>, vector<16x200x64xf32>,
    return
  }
  func.func @transform_0(%arg0: i32) -> (i32, i32) {
    %add3A = arith.constant 0 : i32
    %add3A_0 = arith.addi %add3A, %arg0 : i32
    %c0_i32 = arith.constant 0 : i32
    %c0_i32_1 = arith.constant 0 : i32
    return %add3A_0, %c0_i32 : i32, i32
  }
  func.func @transform_1(%arg0: i32) -> (i32, i32) {
    %add3A = arith.constant 32 : i32
    %add3A_0 = arith.addi %add3A, %arg0 : i32
    %c0_i32 = arith.constant 0 : i32
    %c0_i32_1 = arith.constant 0 : i32
    return %add3A_0, %c0_i32 : i32, i32
  }
  func.func @transform_2(%arg0: i32) -> (i32, i32) {
    %add3A = arith.constant 64 : i32
    %add3A_0 = arith.addi %add3A, %arg0 : i32
    %c0_i32 = arith.constant 0 : i32
    %c0_i32_1 = arith.constant 0 : i32
    return %add3A_0, %c0_i32 : i32, i32
  }
  func.func @transform_3(%arg0: i32) -> (i32, i32) {
    %add3A = arith.constant 96 : i32
    %add3A_0 = arith.addi %add3A, %arg0 : i32
    %c0_i32 = arith.constant 0 : i32
    %c0_i32_1 = arith.constant 0 : i32
    return %add3A_0, %c0_i32 : i32, i32
  }
  func.func @transform_4(%arg0: i32) -> i32 {
    %c0_i32 = arith.constant 0 : i32
    %c0_i32_0 = arith.constant 0 : i32
    return %c0_i32 : i32
  }
  func.func @transform_5(%arg0: i32) -> (i32, i32) {
    %c0_i32 = arith.constant 0 : i32
    %c0_i32_0 = arith.constant 0 : i32
    %c0_i32_1 = arith.constant 0 : i32
    return %c0_i32, %c0_i32_0 : i32, i32
  }
  func.func @transform_6(%arg0: i32) -> (i32, i32) {
    %c0_i32 = arith.constant 0 : i32
    %c0_i32_0 = arith.constant 0 : i32
    %c0_i32_1 = arith.constant 0 : i32
    return %c0_i32, %c0_i32_0 : i32, i32
  }
  func.func @transform_7(%arg0: i32) -> (i32, i32) {
    %c0_i32 = arith.constant 0 : i32
    %c0_i32_0 = arith.constant 0 : i32
    %c0_i32_1 = arith.constant 0 : i32
    return %c0_i32, %c0_i32_0 : i32, i32
  }
  func.func @transform_8(%arg0: i32) -> (i32, i32) {
    %c0_i32 = arith.constant 0 : i32
    %c0_i32_0 = arith.constant 0 : i32
    %c0_i32_1 = arith.constant 0 : i32
    return %c0_i32, %c0_i32_0 : i32, i32
  }
  func.func @transform_9(%arg0: i32) -> (i32, i32) {
    %c0_i32 = arith.constant 0 : i32
    %c0_i32_0 = arith.constant 0 : i32
    %c0_i32_1 = arith.constant 0 : i32
    return %c0_i32, %c0_i32_0 : i32, i32
  }
  func.func @transform_10(%arg0: i32) -> (i32, i32, i32) {
    %c0_i32 = arith.constant 0 : i32
    %c0_i32_0 = arith.constant 0 : i32
    %c0_i32_1 = arith.constant 0 : i32
    return %arg0, %c0_i32, %c0_i32_0 : i32, i32, i32
  }
}

</mosaic_0001>

<sc_bundles>
// kernel: kernel.6.cloned.1.call-start
scs
__scs_entry_jumppad:
0x0: {  	(pc) =	sbr.rel $0x88, $3  }
0x1: {  	(tag) =	ssettag $0x0;
	lr =	simm.s32 $0x1  }
0x2: {  	[smem:$0x3F99] =	sst lr;
	_ =	strace $0xD0000000  }
0x3: {  	_ = 	snop  }
0x4: {  	_ = 	snop  }
0x5: {  	_ = 	snop  }
0x6: {  	_ = 	snop  }
0x7: {  	_ = 	snop  }
__scs_overlays_trampoline_lowered:
0x8: {  	[smem:$0x3FA8] =	sst s0  }
0x9: {  	[smem:$0x3FA9] =	sst s1  }
0xa: {  	[smem:$0x3FAA] =	sst s2  }
0xb: {  	[smem:$0x3FAB] =	sst s3  }
0xc: {  	[smem:$0x3FAC] =	sst s4  }
0xd: {  	[smem:$0x3FAD] =	sst s5  }
0xe: {  	[smem:$0x3FAE] =	sst s6  }
0xf: {  	[smem:$0x3FAF] =	sst s7  }
0x10: {  	[smem:$0x3FB0] =	sst s8  }
0x11: {  	[smem:$0x3FB1] =	sst s9;
	s0 =	simm.s32 @!p0 $0x0  }
0x12: {  	s1 =	sld [smem:$0x3F97];
	s0 =	simm.s32 @p0 $0x1  }
0x13: {  	[smem:$0x3FB2] =	sst s0;
	s0 =	simm.s32 @!p1 $0x0  }
0x14: {  	s2 =	sld [smem:$0x3F96];
	s0 =	simm.s32 @p1 $0x1  }
0x15: {  	[smem:$0x3FB3] =	sst s0;
	s0 =	simm.s32 @!p2 $0x0  }
0x16: {  	s3 =	sld [smem:$0x3FDB];
	s0 =	simm.s32 @p2 $0x1  }
0x17: {  	s4 =	simm.s32 $0x1BF5;
	[smem:$0x3FB5] =	sst s0  }
0x18: {  	s0 =	sld [smem:$0x3F98];
	_ =	swait.ge [sflag:s4], $0x0  }
0x19: {  	s7 =	sld [smem:$0x3F99]  }
0x1a: {  	s8 =	sadd.s32 $0xFFFFE003, lr  }
0x1b: {  	s9 =	sadd.s32 $0xFFFFFEF7, lr;
	s5 =	simm.s32 $0xFFFFFFFF;
	p2 =	slt.u32 s8, $0xFFFFF086  }
0x1c: {  	p1 =	slt.u32 s9, $0xF7A;
	s5 =	simm.s32 @!p2 $0x0  }
0x1d: {  	s5 =	simm.s32 @p1 $0x1;
	p0 =	seq.s32 s7, s2  }
0x1e: {  	s7 =	smul.u32 @!p0 $0xF7A, s2;
	p2 =	seq.s32 @!p0 s5, $0x0  }
0x1f: {  	s9 =	smul.u32 $0xF7A, s1;
	s8 =	simm.s32 @!p0 $0x1BF5;
	p2 =	por !p2, p0  }
0x20: {  	[sflag:s8] =	ssyncset.s32 @!p0 $0xFFFFF086;
	s6 =	sadd.s32 @!p0 s3, s7;
	s7 =	simm.s32 @!p0 $0x108  }
0x21: {  	s3 =	sadd.s32 s3, s9;
	s6 =	sadd.s32 @!p0 $0x88, s6;
	s7 =	simm.s32 @p2 $0x1082  }
0x22: {  	[simem:s7], [sflag:s8] =	dma.local @!p0 [hbm:s6], $0xF7A  }
0x23: {  	s9 =	sor.u32 $0xD0000000, s2;
	s6 =	simm.s32 $0x108;
	_ =	swait.ge @!p0 [sflag:s8], $0x0  }
0x24: {  	s3 =	sadd.s32 $0x88, s3;
	s6 =	simm.s32 @!p1 $0x1082;
	[sflag:s4] =	ssyncset.s32 $0xFFFFF086  }
0x25: {  	[simem:s6], [sflag:s4] =	dma.local [hbm:s3], $0xF7A  }
0x26: {  	[smem:$0x3F99] =	sst s1;
	(tag) =	ssettag s2;
	_ =	strace s9  }
0x27: {  	s1 =	sld [smem:$0x3FA9]  }
0x28: {  	s2 =	sld [smem:$0x3FAA]  }
0x29: {  	s4 =	sld [smem:$0x3FAC]  }
0x2a: {  	p0 =	seq.s32 s5, $0x0;
	s5 =	sld [smem:$0x3FAD]  }
0x2b: {  	s6 =	sld [smem:$0x3FAE]  }
0x2c: {  	s7 =	sld [smem:$0x3FAF]  }
0x2d: {  	s3 =	simm.s32 $0x108;
	s8 =	sld [smem:$0x3FB0]  }
0x2e: {  	s3 =	simm.s32 @!p0 $0x1082;
	s9 =	sld [smem:$0x3FB1]  }
0x2f: {  	lr =	sadd.s32 s0, s3;
	s0 =	sld [smem:$0x3FA8]  }
0x30: {  	s3 =	sld [smem:$0x3FAB]  }
0x31: {  	[smem:$0x3FB4] =	sst s10  }
0x32: {  	s10 =	sld [smem:$0x3FB2];
	_ =	sdelay $0x3  }
0x33: {  	p0 =	seq.s32 s10, $0x1;
	s10 =	sld [smem:$0x3FB4];
	_ =	sdelay $0x3  }
0x34: {  	[smem:$0x3FB4] =	sst s10  }
0x35: {  	s10 =	sld [smem:$0x3FB3];
	_ =	sdelay $0x3  }
0x36: {  	p1 =	seq.s32 s10, $0x1;
	s10 =	sld [smem:$0x3FB4];
	_ =	sdelay $0x3  }
0x37: {  	[smem:$0x3FB4] =	sst s10  }
0x38: {  	s10 =	sld [smem:$0x3FB5]  }
0x39: {  	_ = 	snop;
	(pc) =	sbr.ind lr, $3  }
0x3a: {  	_ = 	snop  }
0x3b: {  	_ = 	snop  }
0x3c: {  	p2 =	seq.s32 s10, $0x1;
	s10 =	sld [smem:$0x3FB4]  }
0x3d: {  	_ =	shalt  }
0x3e: {  	_ =	shalt  }
0x3f: {  	_ =	shalt  }
0x40: {  	_ =	shalt  }
0x41: {  	_ =	shalt  }
0x42: {  	_ =	shalt  }
0x43: {  	_ =	shalt  }
0x44: {  	_ =	shalt  }
0x45: {  	_ =	shalt  }
0x46: {  	_ =	shalt  }
0x47: {  	_ =	shalt  }
0x48: {  	_ =	shalt  }
0x49: {  	_ =	shalt  }
0x4a: {  	_ =	shalt  }
0x4b: {  	_ =	shalt  }
0x4c: {  	_ =	shalt  }
0x4d: {  	_ =	shalt  }
0x4e: {  	_ =	shalt  }
0x4f: {  	_ =	shalt  }
0x50: {  	_ =	shalt  }
0x51: {  	_ =	shalt  }
0x52: {  	_ =	shalt  }
0x53: {  	_ =	shalt  }
0x54: {  	_ =	shalt  }
0x55: {  	_ =	shalt  }
0x56: {  	_ =	shalt  }
0x57: {  	_ =	shalt  }
0x58: {  	_ =	shalt  }
0x59: {  	_ =	shalt  }
0x5a: {  	_ =	shalt  }
0x5b: {  	_ =	shalt  }
0x5c: {  	_ =	shalt  }
0x5d: {  	_ =	shalt  }
0x5e: {  	_ =	shalt  }
0x5f: {  	_ =	shalt  }
0x60: {  	_ =	shalt  }
0x61: {  	_ =	shalt  }
0x62: {  	_ =	shalt  }
0x63: {  	_ =	shalt  }
0x64: {  	_ =	shalt  }
0x65: {  	_ =	shalt  }
0x66: {  	_ =	shalt  }
0x67: {  	_ =	shalt  }
0x68: {  	_ =	shalt  }
0x69: {  	_ =	shalt  }
0x6a: {  	_ =	shalt  }
0x6b: {  	_ =	shalt  }
0x6c: {  	_ =	shalt  }
0x6d: {  	_ =	shalt  }
0x6e: {  	_ =	shalt  }
0x6f: {  	_ =	shalt  }
0x70: {  	_ =	shalt  }
0x71: {  	_ =	shalt  }
0x72: {  	_ =	shalt  }
0x73: {  	_ =	shalt  }
0x74: {  	_ =	shalt  }
0x75: {  	_ =	shalt  }
0x76: {  	_ =	shalt  }
0x77: {  	_ =	shalt  }
0x78: {  	_ =	shalt  }
0x79: {  	_ =	shalt  }
0x7a: {  	_ =	shalt  }
0x7b: {  	_ =	shalt  }
0x7c: {  	_ =	shalt  }
0x7d: {  	_ =	shalt  }
0x7e: {  	_ =	shalt  }
0x7f: {  	_ =	shalt  }
0x80: {  	_ =	shalt  }
0x81: {  	_ =	shalt  }
0x82: {  	_ =	shalt  }
0x83: {  	_ =	shalt  }
0x84: {  	_ =	shalt  }
0x85: {  	_ =	shalt  }
0x86: {  	_ =	shalt  }
0x87: {  	_ =	shalt  }
.Lfunc_end0:
.L_simem_size_0:
called_computation.1_lowered:
.L_overlay_start_0:
0x88: {  	s2 =	sld [smem:$0x3FD9]  }
0x89: {  	s3 =	sld [smem:$0x3FFE];
	_ =	sdelay $0x1  }
0x8a: {  	s1 =	srdreg.scid  }
0x8b: {  	s0 =	sand.u32 $0x1, s1  }
0x8c: {  	s17 =	sshll.u32 s0, $0xA;
	s2 =	sadd.s32 s3, s2  }
0x8d: {  	s2 =	sadd.s32 s2, s17  }
0x8e: {  	[smem:$0x3FC0] =	sst s2  }
0x8f: {  	_ = 	snop  }
0x90: {  	(tm) =	ssettm $0x1  }
0x91: {  	s18 =	sld [smem:$0x3FFB];
	_ =	sdelay $0x3  }
0x92: {  	_ =	strace s18  }
0x93: {  	s2 =	sld [smem:$0x3FFC];
	_ =	sdelay $0x3  }
0x94: {  	_ =	strace s2  }
0x95: {  	s2 =	sld [smem:$0x3FFD];
	_ =	sdelay $0x3  }
0x96: {  	_ =	strace s2  }
0x97: {  	_ =	strace $0x8FFFFFFF  }
0x98: {  	s19 =	sld [smem:$0x3FDB];
	_ =	sdelay $0x1  }
0x99: {  	s20 =	simm.s32 $_scs_section_size  }
0x9a: {  	s4 =	simm.s32 $_size__tile_overlayer_lowered;
	s5 =	simm.s32 $_tile_overlayer_lowered  }
0x9b: {  	s6 =	simm.s32 $0x1BFF;
	s21 =	sshll.u32 s5, $0x1;
	s3 =	sadd.s32 s20, s19  }
0x9c: {  	s22 =	simm.s32 $0x0;
	s4 =	sshll.u32 s4, $0x1;
	s5 =	sadd.s32 s21, s3  }
0x9d: {  	[timem:s22], [sflag:s6] =	dma.local [hbm:s5], s4  }
0x9e: {  	_ =	swait.ge [sflag:s6], s4  }
0x9f: {  	s4 =	ssub.s32 $0x0, s4;
	[sflag:s6] =	ssyncset.done $0x0  }
0xa0: {  	[sflag:s6] =	ssyncadd.s32 s4;
	_ =	sdelay $0x1  }
0xa1: {  	s23 =	simm.s32 $0x1B8B  }
0xa2: {  	_ =	swait.ge [sflag:s23], $0x1  }
0xa3: {  	[sflag:s23] =	ssyncset.done $0x0  }
0xa4: {  	[sflag:s23] =	ssyncadd.s32 $0xFFFFFFFF  }
0xa5: {  	s4 =	sld [smem:$0x0]  }
0xa6: {  	s5 =	sand.u32 $0xFFFFFFFE, s1  }
0xa7: {  	p0 =	sne.s32 s1, s5  }
0xa8: {  	s5 =	sshll.u32 @p0 s5, $0xE  }
0xa9: {  	s5 =	sadd.s32 @p0 $0x11B8D, s5;
	s6 =	sshll.u32 @p0 s4, $0x11  }
0xaa: {  	s5 =	sor.u32 @p0 s6, s5  }
0xab: {  	[sflag:s5] =	ssyncadd.remote.s32 @p0 $0x1;
	_ =	sdelay $0x1  }
0xac: {  	s5 =	simm.s32 @p0 $0x1B8D  }
0xad: {  	_ =	swait.eq @p0 [sflag:s5], $0x1  }
0xae: {  	[sflag:s5] =	ssyncadd.s32 @p0 $0xFFFFFFFF  }
0xaf: {  	s6 =	sshll.u32 @!p0 s1, $0xE  }
0xb0: {  	s6 =	sor.u32 @!p0 $0x4000, s6;
	s5 =	simm.s32 @!p0 $0x1B8D  }
0xb1: {  	s4 =	sshll.u32 @!p0 s4, $0x11;
	s6 =	sadd.s32 @!p0 $0x11B8D, s6;
	_ =	swait.eq @!p0 [sflag:s5], $0x1  }
0xb2: {  	s4 =	sor.u32 @!p0 s4, s6;
	[sflag:s5] =	ssyncadd.s32 @!p0 $0xFFFFFFFF  }
0xb3: {  	s25 =	simm.s32 $0x1B8E;
	s24 =	sld [smem:$0x3FFE];
	[sflag:s4] =	ssyncadd.remote.s32 @!p0 $0x1  }
0xb4: {  	s26 =	simm.s32 $execute0_lowered;
	[smem:$0x3FD2] =	sst s25  }
0xb5: {  	s5 =	sshll.u32 s26, $0x1;
	_ =	strace $0x80000049;
	[dreg:$0x1] =	wrdreg $0xFFFFFFFF  }
0xb6: {  	s28 =	simm.s32 $_size_execute0_lowered;
	s3 =	sadd.s32 s3, s5;
	[dreg:$0x0] =	wrdreg $0x0  }
0xb7: {  	s5 =	sshll.u32 s28, $0x1;
	[dreg:$0x2] =	wrdreg s3  }
0xb8: {  	[dreg:$0x3] =	wrdreg s5  }
0xb9: {  	[dreg:$0x4] =	wrdreg $0xC0  }
0xba: {  	_ =	task [dreg:s22], $0x5FFFF  }
0xbb: {  	[dreg:$0x1] =	wrdreg $0xFFFFFFFF  }
0xbc: {  	[dreg:$0x0] =	wrdreg $0x60  }
0xbd: {  	[dreg:$0x2] =	wrdreg s24  }
0xbe: {  	[dreg:$0x3] =	wrdreg $0x9  }
0xbf: {  	_ =	task.clear_ibuf [dreg:s22], $0x4FFFF;
	_ =	strace $0x90000049  }
0xc0: {  	s29 =	simm.s32 $0x9;
	_ =	strace $0x8000004B  }
0xc1: {  	_ =	swait.ge [sflag:s29], $0x1  }
0xc2: {  	[sflag:s29] =	ssyncadd.s32 $0xFFFFFFFF  }
0xc3: {  	_ =	strace $0x9000004B  }
0xc4: {  	_ =	sfence  }
0xc5: {  	s30 =	sld [smem:$0x0];
	_ =	sdelay $0x2  }
0xc6: {  	s31 =	sshll.u32 s1, $0xD;
	s1 =	sshrl.u32 s1, $0x2  }
0xc7: {  	s4 =	sand.u32 $0x4000, s31;
	s1 =	sadd.s32 s1, s30  }
0xc8: {  	s0 =	sor.u32 s4, s0;
	s1 =	sshll.u32 s1, $0x11  }
0xc9: {  	s0 =	sor.u32 s1, s0  }
0xca: {  	s0 =	sadd.s32 $0x8F2B, s0  }
0xcb: {  	[sflag:s0] =	ssyncadd.remote.s32 $0x1  }
0xcc: {  	_ =	sfence.sel $0xFFFF  }
0xcd: {  	[dreg:$0x0] =	wrdreg $0xFFFFFFFF;
	(pc) =	sbr.abs _section_cstart, $3  }
0xce: {  	[dreg:$0x1] =	wrdreg $0xFFFFFFFF  }
0xcf: {  	_ =	task.clear_ibuf [dreg:s22], $0x2FFFF;
	_ =	strace $0x9FFFFFFF  }
0xd0: {  	(tm) =	ssettm $0x7FFFFFFF  }
0xd1: {  	_ =	shalt  }
tec
execute0_lowered:
.L_overlay_start_1:
0x0: {  	(tag) =	ssettag $0x1  }
0x1: {  	s1 =	srdreg.scid  }
0x2: {  	s0 =	stileid.u32;
	s4 =	rddreg [dreg:$0x0]  }
0x3: {  	s2 =	simm.s32 $0x0;
	s14 =	simm.s32 $0x1;
	s15 =	simm.s32 $0x3  }
0x4: {  	s16 =	simm.s32 $0x2;
	s17 =	simm.s32 $0x4;
	s11 =	smul.u32 $0x64000, s0  }
0x5: {  	s18 =	simm.s32 $0x0;
	s6 =	sand.u32 $0x1, s1;
	s28 =	smul.u32 $0x320000, s0  }
0x6: {  	s3 =	sshll.u32 s0, $0x1;
	[smem:$0x7FF] =	sst s2;
	s13 =	smul.u32 $0x190000, s6  }
0x7: {  	s12 =	sadd.s32 $0x159CC00, s4;
	s5 =	sor.u32 s6, s3;
	s30 =	smul.u32 $0x32000, s6  }
0x8: {  	s1 =	rddreg [dreg:$0x1];
	_ =	strace $0x8000004A;
	s7 =	smul.u32 $0x640, s5  }
0x9: {  	s3 =	sadd.s32 $0xE000, s4;
	s9 =	ssub.s32 $0x2, s6;
	s8 =	smul.u32 $0x190000, s5  }
0xa: {  	s10 =	smul.u32 $0x32000, s5;
	s26 =	sshrl.u32 s9, $0x1;
	s31 =	sadd.s32 s11, s12  }
0xb: {  	s11 =	simm.s32 $0x100;
	s25 =	sadd.s32 s7, s4;
	s7 =	ssub.s32 s9, s26  }
0xc: {  	s8 =	sshrl.u32 s8, $0x3;
	s9 =	sadd.s32 s13, s28;
	s10 =	sadd.s32 s10, s12  }
0xd: {  	s13 =	simm.s32 $0xB200;
	s4 =	sadd.s32 $0x1590400, s25;
	s5 =	smax.u32 s7, $0x1  }
0xe: {  	s29 =	sadd.s32 s12, s8;
	s8 =	sadd.s32 s30, s31;
	s9 =	sshrl.u32 s9, $0x3  }
0xf: {  	s7 =	sadd.s32 $0x31000, s10;
	s10 =	simm.s32 $0x5;
	s6 =	sadd.s32 $0x30000, s29  }
0x10: {  	s8 =	sadd.s32 $0x1000, s8;
	s9 =	sadd.s32 s9, s12;
	s12 =	simm.s32 $0x3200  }
.LBB2_1:
0x11: {  	[tilespmem:s2], [sflag:$0x5] =	stream.linear.gather [hbm4b:s4+s2], $0x3200, $0x38;
	[tilespmem:$0x13200] =	vst v63  }
0x12: {  	_ =	swait.ge [sflag:s10], $0x3200  }
0x13: {  	[sflag:s10] =	ssyncset.done $0x0  }
0x14: {  	[sflag:s10] =	ssyncadd.s32 $0xFFFFCE00  }
0x15: {  	[tilespmem:s12], [sflag:$0x1] =	stream.indirect.gather [hbm4b:s3+s11], $0x80, s2, s11, $0xb8;
	[tilespmem:$0x13200] =	vst v63  }
0x16: {  	_ = 	snop  }
0x17: {  	[tilespmem:s13], [sflag:$0x2] =	stream.indirect.gather [hbm4b:s3+s11], $0x80, s11, s11, $0xb8;
	[tilespmem:$0x13200] =	vst v63  }
0x18: {  	_ =	swait.ge [sflag:s14], $0x8000  }
0x19: {  	[sflag:s14] =	ssyncset.done $0x0  }
0x1a: {  	s19 =	sadd.s32 $0x0, s9;
	[sflag:s14] =	ssyncadd.s32 $0xFFFF8000  }
0x1b: {  	[hbm4b:s19+s2] =	stream.linear.scatter [tilespmem:s12], [sflag:$0x3], $0x8000, $0x38;
	[tilespmem:$0x13200] =	vst v63  }
0x1c: {  	_ =	swait.ge [sflag:s15], $0x8000  }
0x1d: {  	[sflag:s15] =	ssyncset.done $0x0  }
0x1e: {  	s30 =	simm.s32 $0x200;
	[sflag:s15] =	ssyncadd.s32 $0xFFFF8000  }
0x1f: {  	[tilespmem:s12], [sflag:$0x1] =	stream.indirect.gather [hbm4b:s3+s11], $0x80, s30, s11, $0xb8;
	[tilespmem:$0x13200] =	vst v63  }
0x20: {  	_ =	swait.ge [sflag:s16], $0x8000  }
0x21: {  	[sflag:s16] =	ssyncset.done $0x0  }
0x22: {  	s31 =	sadd.s32 $0x0, s8;
	[sflag:s16] =	ssyncadd.s32 $0xFFFF8000  }
0x23: {  	[hbm4b:s31+s2] =	stream.linear.scatter [tilespmem:s13], [sflag:$0x4], $0x8000, $0x38;
	[tilespmem:$0x13200] =	vst v63  }
0x24: {  	_ =	swait.ge [sflag:s17], $0x8000  }
0x25: {  	s20 =	simm.s32 $0x2000;
	[sflag:s17] =	ssyncset.done $0x0  }
0x26: {  	s21 =	simm.s32 $0x500;
	s19 =	simm.s32 $0x300;
	[sflag:s17] =	ssyncadd.s32 $0xFFFF8000  }
.LBB2_2:
0x27: {  	[tilespmem:s13], [sflag:$0x2] =	stream.indirect.gather [hbm4b:s3+s11], $0x80, s19, s11, $0xb8;
	[tilespmem:$0x13200] =	vst v63  }
0x28: {  	s22 =	smov.u32 s20;
	s19 =	smov.u32 s21  }
0x29: {  	p0 =	sne.s32 s20, $0x2E000;
	s20 =	sadd.s32 $0x2000, s20;
	_ =	swait.ge [sflag:s14], $0x8000  }
0x2a: {  	[sflag:s14] =	ssyncset.done $0x0  }
0x2b: {  	s23 =	sadd.s32 s22, s9;
	[sflag:s14] =	ssyncadd.s32 $0xFFFF8000  }
0x2c: {  	[hbm4b:s23+s2] =	stream.linear.scatter [tilespmem:s12], [sflag:$0x3], $0x8000, $0x38;
	[tilespmem:$0x13200] =	vst v63  }
0x2d: {  	_ =	swait.ge [sflag:s15], $0x8000  }
0x2e: {  	[sflag:s15] =	ssyncset.done $0x0  }
0x2f: {  	s23 =	sadd.s32 $0xFFFFFF00, s21;
	[sflag:s15] =	ssyncadd.s32 $0xFFFF8000  }
0x30: {  	[tilespmem:s12], [sflag:$0x1] =	stream.indirect.gather [hbm4b:s3+s11], $0x80, s23, s11, $0xb8;
	[tilespmem:$0x13200] =	vst v63  }
0x31: {  	_ =	swait.ge [sflag:s16], $0x8000  }
0x32: {  	[sflag:s16] =	ssyncset.done $0x0  }
.Ltmp0:
0x33: {  	s22 =	sadd.s32 s22, s8;
	[sflag:s16] =	ssyncadd.s32 $0xFFFF8000;
	(pc) =	sbr.rel @p0 .LBB2_2-.Ltmp0, $4  }
0x34: {  	[hbm4b:s22+s2] =	stream.linear.scatter [tilespmem:s13], [sflag:$0x4], $0x8000, $0x38;
	[tilespmem:$0x13200] =	vst v63  }
0x35: {  	_ =	swait.ge [sflag:s17], $0x8000  }
0x36: {  	[sflag:s17] =	ssyncset.done $0x0  }
0x37: {  	s21 =	sadd.s32 $0x200, s21;
	[sflag:s17] =	ssyncadd.s32 $0xFFFF8000  }
0x38: {  	[tilespmem:s13], [sflag:$0x2] =	stream.indirect.gather [hbm4b:s3+s11], $0x80, s19, s11, $0xb8;
	[tilespmem:$0x13200] =	vst v63  }
0x39: {  	_ =	swait.ge [sflag:s14], $0x8000  }
0x3a: {  	[sflag:s14] =	ssyncset.done $0x0  }
0x3b: {  	[sflag:s14] =	ssyncadd.s32 $0xFFFF8000  }
0x3c: {  	[hbm4b:s6+s2] =	stream.linear.scatter [tilespmem:s12], [sflag:$0x3], $0x8000, $0x38;
	[tilespmem:$0x13200] =	vst v63  }
0x3d: {  	_ =	swait.ge [sflag:s16], $0x8000  }
0x3e: {  	[sflag:s16] =	ssyncset.done $0x0  }
0x3f: {  	s18 =	sadd.s32 $0x1, s18;
	[sflag:s16] =	ssyncadd.s32 $0xFFFF8000  }
0x40: {  	[hbm4b:s7+s2] =	stream.linear.scatter [tilespmem:s13], [sflag:$0x4], $0x8000, $0x38;
	[tilespmem:$0x13200] =	vst v63  }
0x41: {  	p0 =	sne.s32 s18, s5;
	_ =	swait.ge [sflag:s15], $0x8000  }
.Ltmp1:
0x42: {  	[sflag:s15] =	ssyncset.done $0x0;
	(pc) =	sbr.rel @p0 .LBB2_1-.Ltmp1, $4  }
0x43: {  	[sflag:s15] =	ssyncadd.s32 $0xFFFF8000  }
0x44: {  	_ =	swait.ge [sflag:s17], $0x8000  }
0x45: {  	[sflag:s17] =	ssyncset.done $0x0  }
0x46: {  	[sflag:s17] =	ssyncadd.s32 $0xFFFF8000  }
0x47: {  	_ =	sfence.sel $0x180000  }
0x48: {  	[bflag:$0x0] =	sbarrier.arrive $0xFFFF  }
0x49: {  	p0 =	sne.s32 s0, $0x0;
	_ =	strace $0x9000004A  }
0x4a: {  	s0 =	sadd.s32 @!p0 $0x100000, s1;
	[bflag:$0x2] =	sbarrier.arrive $0xFFFF  }
0x4b: {  	[sflag:s0] =	ssyncadd.tile.s32 @!p0 $0x1;
	_ =	shalt  }
.Lfunc_end2:
_tile_overlayer_lowered:
.L_overlay_start_2:
0x4c: {  	(tag) =	ssettag $0x2  }
0x4d: {  	s0 =	rddreg [dreg:$0x0];
	s2 =	stileid.u32  }
0x4e: {  	s1 =	rddreg [dreg:$0x1];
	p0 =	sne.s32 s2, $0x0  }
0x4f: {  	s3 =	rddreg [dreg:$0x2];
	[bflag:$0x3] =	sbarrier.arrive $0xFFFF;
	s2 =	simm.s32 @!p0 $0x1C05  }
0x50: {  	[timem:s3], [sflag:s2] =	dma.local @!p0 [hbm:s0], s1  }
0x51: {  	s0 =	simm.s32 @!p0 $0x5  }
0x52: {  	_ =	swait.ge @!p0 [sflag:s0], s1  }
0x53: {  	s1 =	ssub.s32 @!p0 $0x0, s1;
	[sflag:s0] =	ssyncset.done @!p0 $0x0  }
0x54: {  	[sflag:s0] =	ssyncadd.s32 @!p0 s1  }
0x55: {  	[bflag:$0x3] =	sbarrier.arrive $0xFFFF  }
0x56: {  	_ =	shalt  }

// kernel: kernel.9.cloned.1.call-start
scs
__scs_entry_jumppad:
0x0: {  	(pc) =	sbr.rel $0x88, $3  }
0x1: {  	(tag) =	ssettag $0x0;
	lr =	simm.s32 $0x1  }
0x2: {  	[smem:$0x3F99] =	sst lr;
	_ =	strace $0xD0000000  }
0x3: {  	_ = 	snop  }
0x4: {  	_ = 	snop  }
0x5: {  	_ = 	snop  }
0x6: {  	_ = 	snop  }
0x7: {  	_ = 	snop  }
__scs_overlays_trampoline_lowered:
0x8: {  	[smem:$0x3FA8] =	sst s0  }
0x9: {  	[smem:$0x3FA9] =	sst s1  }
0xa: {  	[smem:$0x3FAA] =	sst s2  }
0xb: {  	[smem:$0x3FAB] =	sst s3  }
0xc: {  	[smem:$0x3FAC] =	sst s4  }
0xd: {  	[smem:$0x3FAD] =	sst s5  }
0xe: {  	[smem:$0x3FAE] =	sst s6  }
0xf: {  	[smem:$0x3FAF] =	sst s7  }
0x10: {  	[smem:$0x3FB0] =	sst s8  }
0x11: {  	[smem:$0x3FB1] =	sst s9;
	s0 =	simm.s32 @!p0 $0x0  }
0x12: {  	s1 =	sld [smem:$0x3F97];
	s0 =	simm.s32 @p0 $0x1  }
0x13: {  	[smem:$0x3FB2] =	sst s0;
	s0 =	simm.s32 @!p1 $0x0  }
0x14: {  	s2 =	sld [smem:$0x3F96];
	s0 =	simm.s32 @p1 $0x1  }
0x15: {  	[smem:$0x3FB3] =	sst s0;
	s0 =	simm.s32 @!p2 $0x0  }
0x16: {  	s3 =	sld [smem:$0x3FDB];
	s0 =	simm.s32 @p2 $0x1  }
0x17: {  	s4 =	simm.s32 $0x1BF5;
	[smem:$0x3FB5] =	sst s0  }
0x18: {  	s0 =	sld [smem:$0x3F98];
	_ =	swait.ge [sflag:s4], $0x0  }
0x19: {  	s7 =	sld [smem:$0x3F99]  }
0x1a: {  	s8 =	sadd.s32 $0xFFFFE003, lr  }
0x1b: {  	s9 =	sadd.s32 $0xFFFFFEF7, lr;
	s5 =	simm.s32 $0xFFFFFFFF;
	p2 =	slt.u32 s8, $0xFFFFF086  }
0x1c: {  	p1 =	slt.u32 s9, $0xF7A;
	s5 =	simm.s32 @!p2 $0x0  }
0x1d: {  	s5 =	simm.s32 @p1 $0x1;
	p0 =	seq.s32 s7, s2  }
0x1e: {  	s7 =	smul.u32 @!p0 $0xF7A, s2;
	p2 =	seq.s32 @!p0 s5, $0x0  }
0x1f: {  	s9 =	smul.u32 $0xF7A, s1;
	s8 =	simm.s32 @!p0 $0x1BF5;
	p2 =	por !p2, p0  }
0x20: {  	[sflag:s8] =	ssyncset.s32 @!p0 $0xFFFFF086;
	s6 =	sadd.s32 @!p0 s3, s7;
	s7 =	simm.s32 @!p0 $0x108  }
0x21: {  	s3 =	sadd.s32 s3, s9;
	s6 =	sadd.s32 @!p0 $0x88, s6;
	s7 =	simm.s32 @p2 $0x1082  }
0x22: {  	[simem:s7], [sflag:s8] =	dma.local @!p0 [hbm:s6], $0xF7A  }
0x23: {  	s9 =	sor.u32 $0xD0000000, s2;
	s6 =	simm.s32 $0x108;
	_ =	swait.ge @!p0 [sflag:s8], $0x0  }
0x24: {  	s3 =	sadd.s32 $0x88, s3;
	s6 =	simm.s32 @!p1 $0x1082;
	[sflag:s4] =	ssyncset.s32 $0xFFFFF086  }
0x25: {  	[simem:s6], [sflag:s4] =	dma.local [hbm:s3], $0xF7A  }
0x26: {  	[smem:$0x3F99] =	sst s1;
	(tag) =	ssettag s2;
	_ =	strace s9  }
0x27: {  	s1 =	sld [smem:$0x3FA9]  }
0x28: {  	s2 =	sld [smem:$0x3FAA]  }
0x29: {  	s4 =	sld [smem:$0x3FAC]  }
0x2a: {  	p0 =	seq.s32 s5, $0x0;
	s5 =	sld [smem:$0x3FAD]  }
0x2b: {  	s6 =	sld [smem:$0x3FAE]  }
0x2c: {  	s7 =	sld [smem:$0x3FAF]  }
0x2d: {  	s3 =	simm.s32 $0x108;
	s8 =	sld [smem:$0x3FB0]  }
0x2e: {  	s3 =	simm.s32 @!p0 $0x1082;
	s9 =	sld [smem:$0x3FB1]  }
0x2f: {  	lr =	sadd.s32 s0, s3;
	s0 =	sld [smem:$0x3FA8]  }
0x30: {  	s3 =	sld [smem:$0x3FAB]  }
0x31: {  	[smem:$0x3FB4] =	sst s10  }
0x32: {  	s10 =	sld [smem:$0x3FB2];
	_ =	sdelay $0x3  }
0x33: {  	p0 =	seq.s32 s10, $0x1;
	s10 =	sld [smem:$0x3FB4];
	_ =	sdelay $0x3  }
0x34: {  	[smem:$0x3FB4] =	sst s10  }
0x35: {  	s10 =	sld [smem:$0x3FB3];
	_ =	sdelay $0x3  }
0x36: {  	p1 =	seq.s32 s10, $0x1;
	s10 =	sld [smem:$0x3FB4];
	_ =	sdelay $0x3  }
0x37: {  	[smem:$0x3FB4] =	sst s10  }
0x38: {  	s10 =	sld [smem:$0x3FB5]  }
0x39: {  	_ = 	snop;
	(pc) =	sbr.ind lr, $3  }
0x3a: {  	_ = 	snop  }
0x3b: {  	_ = 	snop  }
0x3c: {  	p2 =	seq.s32 s10, $0x1;
	s10 =	sld [smem:$0x3FB4]  }
0x3d: {  	_ =	shalt  }
0x3e: {  	_ =	shalt  }
0x3f: {  	_ =	shalt  }
0x40: {  	_ =	shalt  }
0x41: {  	_ =	shalt  }
0x42: {  	_ =	shalt  }
0x43: {  	_ =	shalt  }
0x44: {  	_ =	shalt  }
0x45: {  	_ =	shalt  }
0x46: {  	_ =	shalt  }
0x47: {  	_ =	shalt  }
0x48: {  	_ =	shalt  }
0x49: {  	_ =	shalt  }
0x4a: {  	_ =	shalt  }
0x4b: {  	_ =	shalt  }
0x4c: {  	_ =	shalt  }
0x4d: {  	_ =	shalt  }
0x4e: {  	_ =	shalt  }
0x4f: {  	_ =	shalt  }
0x50: {  	_ =	shalt  }
0x51: {  	_ =	shalt  }
0x52: {  	_ =	shalt  }
0x53: {  	_ =	shalt  }
0x54: {  	_ =	shalt  }
0x55: {  	_ =	shalt  }
0x56: {  	_ =	shalt  }
0x57: {  	_ =	shalt  }
0x58: {  	_ =	shalt  }
0x59: {  	_ =	shalt  }
0x5a: {  	_ =	shalt  }
0x5b: {  	_ =	shalt  }
0x5c: {  	_ =	shalt  }
0x5d: {  	_ =	shalt  }
0x5e: {  	_ =	shalt  }
0x5f: {  	_ =	shalt  }
0x60: {  	_ =	shalt  }
0x61: {  	_ =	shalt  }
0x62: {  	_ =	shalt  }
0x63: {  	_ =	shalt  }
0x64: {  	_ =	shalt  }
0x65: {  	_ =	shalt  }
0x66: {  	_ =	shalt  }
0x67: {  	_ =	shalt  }
0x68: {  	_ =	shalt  }
0x69: {  	_ =	shalt  }
0x6a: {  	_ =	shalt  }
0x6b: {  	_ =	shalt  }
0x6c: {  	_ =	shalt  }
0x6d: {  	_ =	shalt  }
0x6e: {  	_ =	shalt  }
0x6f: {  	_ =	shalt  }
0x70: {  	_ =	shalt  }
0x71: {  	_ =	shalt  }
0x72: {  	_ =	shalt  }
0x73: {  	_ =	shalt  }
0x74: {  	_ =	shalt  }
0x75: {  	_ =	shalt  }
0x76: {  	_ =	shalt  }
0x77: {  	_ =	shalt  }
0x78: {  	_ =	shalt  }
0x79: {  	_ =	shalt  }
0x7a: {  	_ =	shalt  }
0x7b: {  	_ =	shalt  }
0x7c: {  	_ =	shalt  }
0x7d: {  	_ =	shalt  }
0x7e: {  	_ =	shalt  }
0x7f: {  	_ =	shalt  }
0x80: {  	_ =	shalt  }
0x81: {  	_ =	shalt  }
0x82: {  	_ =	shalt  }
0x83: {  	_ =	shalt  }
0x84: {  	_ =	shalt  }
0x85: {  	_ =	shalt  }
0x86: {  	_ =	shalt  }
0x87: {  	_ =	shalt  }
.Lfunc_end0:
.L_simem_size_0:
called_computation.2_lowered:
.L_overlay_start_0:
0x88: {  	s2 =	sld [smem:$0x3FD9]  }
0x89: {  	s3 =	sld [smem:$0x3FFE];
	_ =	sdelay $0x1  }
0x8a: {  	s1 =	srdreg.scid  }
0x8b: {  	s0 =	sand.u32 $0x1, s1  }
0x8c: {  	s16 =	sshll.u32 s0, $0xA;
	s2 =	sadd.s32 s3, s2  }
0x8d: {  	s2 =	sadd.s32 s2, s16  }
0x8e: {  	[smem:$0x3FC0] =	sst s2  }
0x8f: {  	_ = 	snop  }
0x90: {  	(tm) =	ssettm $0x1  }
0x91: {  	s17 =	sld [smem:$0x3FFB];
	_ =	sdelay $0x3  }
0x92: {  	_ =	strace s17  }
0x93: {  	s2 =	sld [smem:$0x3FFC];
	_ =	sdelay $0x3  }
0x94: {  	_ =	strace s2  }
0x95: {  	s2 =	sld [smem:$0x3FFD];
	_ =	sdelay $0x3  }
0x96: {  	_ =	strace s2  }
0x97: {  	_ =	strace $0x8FFFFFFF  }
0x98: {  	s18 =	sld [smem:$0x3FDB];
	_ =	sdelay $0x1  }
0x99: {  	s19 =	simm.s32 $_scs_section_size  }
0x9a: {  	s4 =	simm.s32 $_size__tile_overlayer_lowered;
	s5 =	simm.s32 $_tile_overlayer_lowered  }
0x9b: {  	s22 =	simm.s32 $0x1BFF;
	s21 =	sshll.u32 s5, $0x1;
	s2 =	sadd.s32 s19, s18  }
0x9c: {  	s6 =	simm.s32 $0x0;
	s20 =	sshll.u32 s4, $0x1;
	s4 =	sadd.s32 s21, s2  }
0x9d: {  	[timem:s6], [sflag:s22] =	dma.local [hbm:s4], s20  }
0x9e: {  	_ =	swait.ge [sflag:s22], s20  }
0x9f: {  	s3 =	ssub.s32 $0x0, s20;
	[sflag:s22] =	ssyncset.done $0x0  }
0xa0: {  	[sflag:s22] =	ssyncadd.s32 s3;
	_ =	sdelay $0x1  }
0xa1: {  	s23 =	simm.s32 $0x1B8B  }
0xa2: {  	_ =	swait.ge [sflag:s23], $0x1  }
0xa3: {  	[sflag:s23] =	ssyncset.done $0x0  }
0xa4: {  	s25 =	simm.s32 $0x1B8E;
	s24 =	sld [smem:$0x3FFE];
	[sflag:s23] =	ssyncadd.s32 $0xFFFFFFFF  }
0xa5: {  	s26 =	simm.s32 $execute0_lowered;
	[smem:$0x3FD2] =	sst s25  }
0xa6: {  	s4 =	sshll.u32 s26, $0x1;
	_ =	strace $0x80000046;
	[dreg:$0x1] =	wrdreg $0xFFFFFFFF  }
0xa7: {  	s28 =	simm.s32 $_size_execute0_lowered;
	s2 =	sadd.s32 s2, s4;
	[dreg:$0x0] =	wrdreg $0x0  }
0xa8: {  	s4 =	sshll.u32 s28, $0x1;
	[dreg:$0x2] =	wrdreg s2  }
0xa9: {  	[dreg:$0x3] =	wrdreg s4  }
0xaa: {  	[dreg:$0x4] =	wrdreg $0xC0  }
0xab: {  	_ =	task [dreg:s6], $0x5FFFF  }
0xac: {  	[dreg:$0x1] =	wrdreg $0xFFFFFFFF  }
0xad: {  	[dreg:$0x0] =	wrdreg $0x60  }
0xae: {  	[dreg:$0x2] =	wrdreg s24  }
0xaf: {  	[dreg:$0x3] =	wrdreg $0xA  }
0xb0: {  	_ =	task.clear_ibuf [dreg:s6], $0x4FFFF;
	_ =	strace $0x90000046  }
0xb1: {  	s29 =	simm.s32 $0xA;
	_ =	strace $0x80000048  }
0xb2: {  	_ =	swait.ge [sflag:s29], $0x1  }
0xb3: {  	[sflag:s29] =	ssyncadd.s32 $0xFFFFFFFF  }
0xb4: {  	_ =	strace $0x90000048  }
0xb5: {  	_ =	sfence  }
0xb6: {  	s30 =	sld [smem:$0x0];
	_ =	sdelay $0x2  }
0xb7: {  	s31 =	sshll.u32 s1, $0xD;
	s1 =	sshrl.u32 s1, $0x2  }
0xb8: {  	s3 =	sand.u32 $0x4000, s31;
	s1 =	sadd.s32 s1, s30  }
0xb9: {  	s0 =	sor.u32 s3, s0;
	s1 =	sshll.u32 s1, $0x11  }
0xba: {  	s0 =	sor.u32 s1, s0  }
0xbb: {  	s0 =	sadd.s32 $0x8F2B, s0  }
0xbc: {  	[sflag:s0] =	ssyncadd.remote.s32 $0x1  }
0xbd: {  	_ =	sfence.sel $0xFFFF  }
0xbe: {  	[dreg:$0x0] =	wrdreg $0xFFFFFFFF;
	(pc) =	sbr.abs _section_cstart, $3  }
0xbf: {  	[dreg:$0x1] =	wrdreg $0xFFFFFFFF  }
0xc0: {  	_ =	task.clear_ibuf [dreg:s6], $0x2FFFF;
	_ =	strace $0x9FFFFFFF  }
0xc1: {  	(tm) =	ssettm $0x7FFFFFFF  }
tec
execute0_lowered:
.L_overlay_start_1:
0x0: {  	(tag) =	ssettag $0x1  }
0x1: {  	s1 =	srdreg.scid  }
0x2: {  	s0 =	stileid.u32;
	s4 =	rddreg [dreg:$0x0]  }
0x3: {  	s2 =	simm.s32 $0x0;
	s14 =	simm.s32 $0x1;
	s15 =	simm.s32 $0x3  }
0x4: {  	s16 =	simm.s32 $0x2;
	s17 =	simm.s32 $0x4;
	s11 =	smul.u32 $0x64000, s0  }
0x5: {  	s18 =	simm.s32 $0x0;
	s6 =	sand.u32 $0x1, s1;
	s28 =	smul.u32 $0x320000, s0  }
0x6: {  	s3 =	sshll.u32 s0, $0x1;
	[smem:$0x7FF] =	sst s2;
	s13 =	smul.u32 $0x190000, s6  }
0x7: {  	s12 =	sadd.s32 $0xF50400, s4;
	s5 =	sor.u32 s6, s3;
	s30 =	smul.u32 $0x32000, s6  }
0x8: {  	s1 =	rddreg [dreg:$0x1];
	_ =	strace $0x80000047;
	s7 =	smul.u32 $0x640, s5  }
0x9: {  	s3 =	sadd.s32 $0xE000, s4;
	s9 =	ssub.s32 $0x2, s6;
	s8 =	smul.u32 $0x190000, s5  }
0xa: {  	s10 =	smul.u32 $0x32000, s5;
	s26 =	sshrl.u32 s9, $0x1;
	s31 =	sadd.s32 s11, s12  }
0xb: {  	s11 =	simm.s32 $0x100;
	s25 =	sadd.s32 s7, s4;
	s7 =	ssub.s32 s9, s26  }
0xc: {  	s8 =	sshrl.u32 s8, $0x3;
	s9 =	sadd.s32 s13, s28;
	s10 =	sadd.s32 s10, s12  }
0xd: {  	s13 =	simm.s32 $0xB200;
	s4 =	sadd.s32 $0x1800, s25;
	s5 =	smax.u32 s7, $0x1  }
0xe: {  	s29 =	sadd.s32 s12, s8;
	s8 =	sadd.s32 s30, s31;
	s9 =	sshrl.u32 s9, $0x3  }
0xf: {  	s7 =	sadd.s32 $0x31000, s10;
	s10 =	simm.s32 $0x5;
	s6 =	sadd.s32 $0x30000, s29  }
0x10: {  	s8 =	sadd.s32 $0x1000, s8;
	s9 =	sadd.s32 s9, s12;
	s12 =	simm.s32 $0x3200  }
.LBB2_1:
0x11: {  	[tilespmem:s2], [sflag:$0x5] =	stream.linear.gather [hbm4b:s4+s2], $0x3200, $0x38;
	[tilespmem:$0x13200] =	vst v63  }
0x12: {  	_ =	swait.ge [sflag:s10], $0x3200  }
0x13: {  	[sflag:s10] =	ssyncset.done $0x0  }
0x14: {  	[sflag:s10] =	ssyncadd.s32 $0xFFFFCE00  }
0x15: {  	[tilespmem:s12], [sflag:$0x1] =	stream.indirect.gather [hbm4b:s3+s11], $0x80, s2, s11, $0xb8;
	[tilespmem:$0x13200] =	vst v63  }
0x16: {  	_ = 	snop  }
0x17: {  	[tilespmem:s13], [sflag:$0x2] =	stream.indirect.gather [hbm4b:s3+s11], $0x80, s11, s11, $0xb8;
	[tilespmem:$0x13200] =	vst v63  }
0x18: {  	_ =	swait.ge [sflag:s14], $0x8000  }
0x19: {  	[sflag:s14] =	ssyncset.done $0x0  }
0x1a: {  	s19 =	sadd.s32 $0x0, s9;
	[sflag:s14] =	ssyncadd.s32 $0xFFFF8000  }
0x1b: {  	[hbm4b:s19+s2] =	stream.linear.scatter [tilespmem:s12], [sflag:$0x3], $0x8000, $0x38;
	[tilespmem:$0x13200] =	vst v63  }
0x1c: {  	_ =	swait.ge [sflag:s15], $0x8000  }
0x1d: {  	[sflag:s15] =	ssyncset.done $0x0  }
0x1e: {  	s30 =	simm.s32 $0x200;
	[sflag:s15] =	ssyncadd.s32 $0xFFFF8000  }
0x1f: {  	[tilespmem:s12], [sflag:$0x1] =	stream.indirect.gather [hbm4b:s3+s11], $0x80, s30, s11, $0xb8;
	[tilespmem:$0x13200] =	vst v63  }
0x20: {  	_ =	swait.ge [sflag:s16], $0x8000  }
0x21: {  	[sflag:s16] =	ssyncset.done $0x0  }
0x22: {  	s31 =	sadd.s32 $0x0, s8;
	[sflag:s16] =	ssyncadd.s32 $0xFFFF8000  }
0x23: {  	[hbm4b:s31+s2] =	stream.linear.scatter [tilespmem:s13], [sflag:$0x4], $0x8000, $0x38;
	[tilespmem:$0x13200] =	vst v63  }
0x24: {  	_ =	swait.ge [sflag:s17], $0x8000  }
0x25: {  	s20 =	simm.s32 $0x2000;
	[sflag:s17] =	ssyncset.done $0x0  }
0x26: {  	s21 =	simm.s32 $0x500;
	s19 =	simm.s32 $0x300;
	[sflag:s17] =	ssyncadd.s32 $0xFFFF8000  }
.LBB2_2:
0x27: {  	[tilespmem:s13], [sflag:$0x2] =	stream.indirect.gather [hbm4b:s3+s11], $0x80, s19, s11, $0xb8;
	[tilespmem:$0x13200] =	vst v63  }
0x28: {  	s22 =	smov.u32 s20;
	s19 =	smov.u32 s21  }
0x29: {  	p0 =	sne.s32 s20, $0x2E000;
	s20 =	sadd.s32 $0x2000, s20;
	_ =	swait.ge [sflag:s14], $0x8000  }
0x2a: {  	[sflag:s14] =	ssyncset.done $0x0  }
0x2b: {  	s23 =	sadd.s32 s22, s9;
	[sflag:s14] =	ssyncadd.s32 $0xFFFF8000  }
0x2c: {  	[hbm4b:s23+s2] =	stream.linear.scatter [tilespmem:s12], [sflag:$0x3], $0x8000, $0x38;
	[tilespmem:$0x13200] =	vst v63  }
0x2d: {  	_ =	swait.ge [sflag:s15], $0x8000  }
0x2e: {  	[sflag:s15] =	ssyncset.done $0x0  }
0x2f: {  	s23 =	sadd.s32 $0xFFFFFF00, s21;
	[sflag:s15] =	ssyncadd.s32 $0xFFFF8000  }
0x30: {  	[tilespmem:s12], [sflag:$0x1] =	stream.indirect.gather [hbm4b:s3+s11], $0x80, s23, s11, $0xb8;
	[tilespmem:$0x13200] =	vst v63  }
0x31: {  	_ =	swait.ge [sflag:s16], $0x8000  }
0x32: {  	[sflag:s16] =	ssyncset.done $0x0  }
.Ltmp0:
0x33: {  	s22 =	sadd.s32 s22, s8;
	[sflag:s16] =	ssyncadd.s32 $0xFFFF8000;
	(pc) =	sbr.rel @p0 .LBB2_2-.Ltmp0, $4  }
0x34: {  	[hbm4b:s22+s2] =	stream.linear.scatter [tilespmem:s13], [sflag:$0x4], $0x8000, $0x38;
	[tilespmem:$0x13200] =	vst v63  }
0x35: {  	_ =	swait.ge [sflag:s17], $0x8000  }
0x36: {  	[sflag:s17] =	ssyncset.done $0x0  }
0x37: {  	s21 =	sadd.s32 $0x200, s21;
	[sflag:s17] =	ssyncadd.s32 $0xFFFF8000  }
0x38: {  	[tilespmem:s13], [sflag:$0x2] =	stream.indirect.gather [hbm4b:s3+s11], $0x80, s19, s11, $0xb8;
	[tilespmem:$0x13200] =	vst v63  }
0x39: {  	_ =	swait.ge [sflag:s14], $0x8000  }
0x3a: {  	[sflag:s14] =	ssyncset.done $0x0  }
0x3b: {  	[sflag:s14] =	ssyncadd.s32 $0xFFFF8000  }
0x3c: {  	[hbm4b:s6+s2] =	stream.linear.scatter [tilespmem:s12], [sflag:$0x3], $0x8000, $0x38;
	[tilespmem:$0x13200] =	vst v63  }
0x3d: {  	_ =	swait.ge [sflag:s16], $0x8000  }
0x3e: {  	[sflag:s16] =	ssyncset.done $0x0  }
0x3f: {  	s18 =	sadd.s32 $0x1, s18;
	[sflag:s16] =	ssyncadd.s32 $0xFFFF8000  }
0x40: {  	[hbm4b:s7+s2] =	stream.linear.scatter [tilespmem:s13], [sflag:$0x4], $0x8000, $0x38;
	[tilespmem:$0x13200] =	vst v63  }
0x41: {  	p0 =	sne.s32 s18, s5;
	_ =	swait.ge [sflag:s15], $0x8000  }
.Ltmp1:
0x42: {  	[sflag:s15] =	ssyncset.done $0x0;
	(pc) =	sbr.rel @p0 .LBB2_1-.Ltmp1, $4  }
0x43: {  	[sflag:s15] =	ssyncadd.s32 $0xFFFF8000  }
0x44: {  	_ =	swait.ge [sflag:s17], $0x8000  }
0x45: {  	[sflag:s17] =	ssyncset.done $0x0  }
0x46: {  	[sflag:s17] =	ssyncadd.s32 $0xFFFF8000  }
0x47: {  	_ =	sfence.sel $0x180000  }
0x48: {  	[bflag:$0x0] =	sbarrier.arrive $0xFFFF  }
0x49: {  	p0 =	sne.s32 s0, $0x0;
	_ =	strace $0x90000047  }
0x4a: {  	s0 =	sadd.s32 @!p0 $0x100000, s1;
	[bflag:$0x2] =	sbarrier.arrive $0xFFFF  }
0x4b: {  	[sflag:s0] =	ssyncadd.tile.s32 @!p0 $0x1;
	_ =	shalt  }
.Lfunc_end2:
_tile_overlayer_lowered:
.L_overlay_start_2:
0x4c: {  	(tag) =	ssettag $0x2  }
0x4d: {  	s0 =	rddreg [dreg:$0x0];
	s2 =	stileid.u32  }
0x4e: {  	s1 =	rddreg [dreg:$0x1];
	p0 =	sne.s32 s2, $0x0  }
0x4f: {  	s3 =	rddreg [dreg:$0x2];
	[bflag:$0x3] =	sbarrier.arrive $0xFFFF;
	s2 =	simm.s32 @!p0 $0x1C05  }
0x50: {  	[timem:s3], [sflag:s2] =	dma.local @!p0 [hbm:s0], s1  }
0x51: {  	s0 =	simm.s32 @!p0 $0x5  }
0x52: {  	_ =	swait.ge @!p0 [sflag:s0], s1  }
0x53: {  	s1 =	ssub.s32 @!p0 $0x0, s1;
	[sflag:s0] =	ssyncset.done @!p0 $0x0  }
0x54: {  	[sflag:s0] =	ssyncadd.s32 @!p0 s1  }
0x55: {  	[bflag:$0x3] =	sbarrier.arrive $0xFFFF  }
0x56: {  	_ =	shalt  }

// kernel: sparse-core-data-format-call.cloned.1.call-start
scs
called_computation_lowered:
.L_overlay_start_0:
0x0: {  	s2 =	sld [smem:$0x3FD9]  }
0x1: {  	s3 =	sld [smem:$0x3FFE];
	_ =	sdelay $0x1  }
0x2: {  	s1 =	srdreg.scid  }
0x3: {  	s0 =	sand.u32 $0x1, s1  }
0x4: {  	s18 =	sshll.u32 s0, $0xA;
	s2 =	sadd.s32 s3, s2  }
0x5: {  	s2 =	sadd.s32 s2, s18  }
0x6: {  	[smem:$0x3FC0] =	sst s2  }
0x7: {  	_ = 	snop  }
0x8: {  	s2 =	sld [smem:$0x3FD0];
	(tm) =	ssettm $0x1  }
0x9: {  	s19 =	sld [smem:$0x3FFB];
	_ =	sdelay $0x3  }
0xa: {  	_ =	strace s19  }
0xb: {  	s3 =	sld [smem:$0x3FFC];
	_ =	sdelay $0x3  }
0xc: {  	_ =	strace s3  }
0xd: {  	s3 =	sld [smem:$0x3FFD];
	_ =	sdelay $0x3  }
0xe: {  	_ =	strace s3  }
0xf: {  	_ =	strace $0x8FFFFFFF  }
0x10: {  	s20 =	sld [smem:$0x3FDB];
	_ =	sdelay $0x1  }
0x11: {  	s4 =	simm.s32 $_scs_section_size  }
0x12: {  	s5 =	simm.s32 $_size__tile_overlayer_lowered;
	s6 =	simm.s32 $_tile_overlayer_lowered  }
0x13: {  	s23 =	simm.s32 $0x1BFF;
	s22 =	sshll.u32 s6, $0x1;
	s3 =	sadd.s32 s4, s20  }
0x14: {  	s7 =	simm.s32 $0x0;
	s21 =	sshll.u32 s5, $0x1;
	s5 =	sadd.s32 s22, s3  }
0x15: {  	[timem:s7], [sflag:s23] =	dma.local [hbm:s5], s21  }
0x16: {  	_ =	swait.ge [sflag:s23], s21  }
0x17: {  	s4 =	ssub.s32 $0x0, s21;
	[sflag:s23] =	ssyncset.done $0x0  }
0x18: {  	[sflag:s23] =	ssyncadd.s32 s4;
	_ =	sdelay $0x1  }
0x19: {  	s24 =	simm.s32 $0x1B8B  }
0x1a: {  	_ =	swait.ge [sflag:s24], $0x1  }
0x1b: {  	[sflag:s24] =	ssyncset.done $0x0  }
0x1c: {  	s26 =	simm.s32 $0x1B8E;
	s25 =	sld [smem:$0x3FFE];
	[sflag:s24] =	ssyncadd.s32 $0xFFFFFFFF  }
0x1d: {  	s27 =	simm.s32 $execute0_lowered;
	[smem:$0x3FD2] =	sst s26  }
0x1e: {  	s5 =	sshll.u32 s27, $0x1;
	_ =	strace $0x8000004C;
	[dreg:$0x1] =	wrdreg $0xFFFFFFFF  }
0x1f: {  	s28 =	simm.s32 $_size_execute0_lowered;
	s3 =	sadd.s32 s3, s5;
	[dreg:$0x0] =	wrdreg $0x0  }
0x20: {  	s5 =	sshll.u32 s28, $0x1;
	[dreg:$0x2] =	wrdreg s3  }
0x21: {  	[dreg:$0x3] =	wrdreg s5  }
0x22: {  	[dreg:$0x4] =	wrdreg $0xC0  }
0x23: {  	_ =	task [dreg:s7], $0x5FFFF  }
0x24: {  	[dreg:$0x1] =	wrdreg $0xFFFFFFFF  }
0x25: {  	[dreg:$0x0] =	wrdreg $0x60  }
0x26: {  	[dreg:$0x2] =	wrdreg s25  }
0x27: {  	[dreg:$0x3] =	wrdreg s2  }
0x28: {  	[dreg:$0x4] =	wrdreg $0x9  }
0x29: {  	_ =	task.clear_ibuf [dreg:s7], $0x5FFFF;
	_ =	strace $0x9000004C  }
0x2a: {  	s29 =	simm.s32 $0x9;
	_ =	strace $0x8000004E  }
0x2b: {  	_ =	swait.ge [sflag:s29], $0x1  }
0x2c: {  	[sflag:s29] =	ssyncadd.s32 $0xFFFFFFFF  }
0x2d: {  	_ =	strace $0x9000004E  }
0x2e: {  	_ =	sfence  }
0x2f: {  	s30 =	sld [smem:$0x0];
	_ =	sdelay $0x2  }
0x30: {  	s31 =	sshll.u32 s1, $0xD;
	s1 =	sshrl.u32 s1, $0x2  }
0x31: {  	s3 =	sand.u32 $0x4000, s31;
	s1 =	sadd.s32 s1, s30  }
0x32: {  	s0 =	sor.u32 s3, s0;
	s1 =	sshll.u32 s1, $0x11  }
0x33: {  	s0 =	sor.u32 s1, s0  }
0x34: {  	s0 =	sadd.s32 $0x8F2B, s0  }
0x35: {  	[sflag:s0] =	ssyncadd.remote.s32 $0x1  }
0x36: {  	_ =	sfence.sel $0xFFFF  }
0x37: {  	[dreg:$0x0] =	wrdreg $0xFFFFFFFF;
	(pc) =	sbr.abs _section_cstart, $3  }
0x38: {  	[dreg:$0x1] =	wrdreg $0xFFFFFFFF  }
0x39: {  	_ =	task.clear_ibuf [dreg:s7], $0x2FFFF;
	_ =	strace $0x9FFFFFFF  }
0x3a: {  	(tm) =	ssettm $0x7FFFFFFF  }
0x3b: {  	_ =	shalt  }
tec
execute0_lowered:
.L_overlay_start_1:
0x0: {  	(tag) =	ssettag $0x1  }
0x1: {  	s0 =	stileid.u32;
	s6 =	rddreg [dreg:$0x0]  }
0x2: {  	s2 =	rddreg [dreg:$0x1];
	s5 =	srdreg.scid  }
0x3: {  	s31 =	simm.s32 $0x2;
	s13 =	simm.s32 $0x0;
	s1 =	sshll.u32 s0, $0x7  }
0x4: {  	s14 =	simm.s32 $0x0;
	s12 =	simm.s32 $0x0;
	s3 =	sand.u32 $0x380, s1  }
0x5: {  	s5 =	sshll.u32 s5, $0x4;
	s6 =	sadd.s32 $0x191800, s6;
	s4 =	ssub.s32 $0x400, s3  }
0x6: {  	s1 =	rddreg [dreg:$0x2];
	_ =	strace $0x8000004D;
	s7 =	sand.u32 $0x380, s4  }
0x7: {  	s5 =	sand.u32 $0x10, s5;
	p0 =	sne.s32 s7, $0x0;
	s7 =	simm.s32 $0x1  }
.Ltmp0:
0x8: {  	s8 =	sshrl.u32 s4, $0xA;
	s7 =	simm.s32 @!p0 $0x0;
	(pc) =	sbr.rel .LBB1_1-.Ltmp0, $4  }
0x9: {  	s9 =	sor.u32 s0, s5;
	s4 =	simm.s32 $0x1;
	s30 =	sadd.s32 s7, s8  }
0xa: {  	s11 =	smov.u32 s3;
	[sflag:s4] =	ssyncpa.u1 $0x0;
	s5 =	smul.u32 $0x32, s30  }
0xb: {  	[sflag:s31] =	ssyncpa.u1 $0x0;
	p0 =	por $0x0, $0x0;
	s7 =	sshrl.u32 s9, $0x3  }
0xc: {  	s9 =	simm.s32 $0x2000;
	s10 =	smov.u32 s7;
	s8 =	sor.u32 $0x1, s5  }
.LBB1_4:
0xd: {  	s17 =	sand.u32 $0x1F80, s14;
	s13 =	sshll.u32 s13, $0xD  }
0xe: {  	[tilespmem:s16+$0x810 ss:$0x81] =	vst.msk $0xffff, v2;
	s18 =	sshrl.u32 s14, $0x3;
	s31 =	sand.u32 $0x7, s14;
	s17 =	sadd.s32 s2, s17  }
0xf: {  	[tilespmem:s16+$0x1020 ss:$0x81] =	vst.msk $0xffff, v0;
	s18 =	sand.u32 $0xF, s18;
	s14 =	sshll.u32 s31, $0x12;
	s13 =	sadd.s32 s13, s17  }
0x10: {  	[tilespmem:s16+$0x0 ss:$0x81] =	vst.msk $0xffff, v1;
	s14 =	sor.u32 $0x400, s14;
	s13 =	sadd.s32 s18, s13  }
0x11: {  	[hbm4b:s13+s14] =	stream.strided.scatter [tilespmem:s15], [sflag:$0x2], $0x2000, s9, s14, $0x20;
	[tilespmem:$0x8080] =	vst v63  }
.LBB1_5:
0x12: {  	s15 =	sadd.s32 $0x4, s10  }
0x13: {  	s13 =	sadd.s32 $0x400, s11;
	s17 =	smov.u32 s11;
	p2 =	sgt.s32 s15, $0xC7  }
0x14: {  	s17 =	smov.u32 @p2 s13  }
0x15: {  	s15 =	smov.u32 @p2 s7;
	p2 =	sgt.s32 s17, $0x3FF  }
0x16: {  	s17 =	smov.u32 @p2 s3;
	p2 =	sne.s32 s12, s8  }
.Ltmp1:
0x17: {  	p1 =	slt.u32 s12, $0x2;
	(pc) =	sbr.rel @!p2 .LBB1_6-.Ltmp1, $4  }
0x18: {  	s16 =	simm.s32 @!p1 $0x2  }
0x19: {  	s14 =	smov.u32 s11;
	p0 =	por !p0, !p0;
	_ =	swait.ge @!p1 [sflag:s16], $0x2000  }
0x1a: {  	s13 =	smov.u32 s10;
	[sflag:s16] =	ssyncset.done @!p1 $0x0;
	s10 =	smov.u32 s15  }
0x1b: {  	s12 =	sadd.s32 $0x1, s12;
	[sflag:s16] =	ssyncadd.s32 @!p1 $0xFFFFE000;
	s11 =	smov.u32 s17  }
.LBB1_1:
0x1c: {  	p1 =	sge.u32 s12, s5  }
0x1d: {  	s15 =	sand.u32 @!p1 $0x1FFFFFF, s10  }
0x1e: {  	s16 =	smulhi.u32 @!p1 $0x147AE15, s15;
	_ =	sdelay $0x1  }
0x1f: {  	s16 =	smul.u32 @!p1 $0xC8, s16  }
0x20: {  	s17 =	sxor.u32 @!p1 $0xFFFFFFFF, s12;
	s18 =	smul.u32 @!p1 $0xC80, s11  }
0x21: {  	s31 =	sadd.s32 $0xFFFFFFFF, s12;
	s17 =	sshll.u32 @!p1 s17, $0xD;
	s15 =	ssub.s32 @!p1 s15, s16  }
0x22: {  	s16 =	sand.u32 @!p1 $0x2000, s17;
	s17 =	sadd.s32 @!p1 s6, s18;
	s15 =	sshll.u32 @!p1 s15, $0x4  }
0x23: {  	s18 =	simm.s32 @!p1 $0x6400;
	s15 =	sadd.s32 @!p1 s15, s17;
	s17 =	simm.s32 @!p1 $0x40  }
0x24: {  	[tilespmem:s16], [sflag:$0x1] =	stream.strided.gather @!p1 [hbm4b:s15+s17], $0x2000, s18, s17, $0x38;
	[tilespmem:$0x8080] =	vst v63  }
0x25: {  	p1 =	sge.u32 s31, s5  }
.Ltmp2:
0x26: {  	_ = 	snop;
	(pc) =	sbr.rel @p1 .LBB1_5-.Ltmp2, $1  }
0x27: {  	_ =	sdelay $0x3  }
0x28: {  	s15 =	simm.s32 $0x1  }
0x29: {  	_ =	swait.ge [sflag:s4], $0x2000;
	s15 =	simm.s32 @!p0 $0x0  }
0x2a: {  	[sflag:s4] =	ssyncset.done $0x0;
	s16 =	sshll.u32 s15, $0xD  }
0x2b: {  	[sflag:s4] =	ssyncadd.s32 $0xFFFFE000;
	s19 =	sor.u32 $0x20, s16  }
0x2c: {  	s15 =	smul.u32 $0x8100, s15;
	v3 =	vld [tilespmem:s19+$0x10]  }
0x2d: {  	s30 =	sand.u32 $0x1, s12;
	v2 =	vld [tilespmem:s19+$0xFFFFFFF0]  }
0x2e: {  	s16 =	smul.u32 $0x8100, s30;
	s15 =	sshrl.u32 s15, $0x2;
	v0 =	vld [tilespmem:s19+$0x0]  }
0x2f: {  	v1 =	vld [tilespmem:s19+$0xFFFFFFE0];
	s17 =	sor.u32 $0x4000, s15  }
0x30: {  	s31 =	sshrl.u32 s16, $0x2;
	s16 =	sadd.s32 $0x0, s17  }
0x31: {  	s18 =	simm.s32 $0x4;
	s19 =	sadd.s32 $0x40, s19;
	s15 =	sor.u32 $0x4000, s31;
	[tilespmem:s16+$0x1830 ss:$0x81] =	vst.msk $0xffff, v3  }
.LBB1_3:
0x32: {  	v3 =	vld [tilespmem:s19+$0x10];
	p1 =	sne.s32 s18, $0x1FC;
	[tilespmem:s16+$0x810 ss:$0x81] =	vst.msk $0xffff, v2;
	s20 =	smov.u32 s18;
	s18 =	sadd.s32 $0x4, s18  }
.Ltmp3:
0x33: {  	v2 =	vld [tilespmem:s19+$0xFFFFFFF0];
	[tilespmem:s16+$0x1020 ss:$0x81] =	vst.msk $0xffff, v0;
	(pc) =	sbr.rel @p1 .LBB1_3-.Ltmp3, $4  }
0x34: {  	v0 =	vld [tilespmem:s19+$0x0];
	[tilespmem:s16+$0x0 ss:$0x81] =	vst.msk $0xffff, v1  }
0x35: {  	s16 =	sshra.s32 s20, $0x2;
	v1 =	vld [tilespmem:s19+$0xFFFFFFE0]  }
0x36: {  	s16 =	sadd.s32 s16, s17  }
0x37: {  	s19 =	sadd.s32 $0x40, s19;
	[tilespmem:s16+$0x1830 ss:$0x81] =	vst.msk $0xffff, v3  }
.Ltmp4:
0x38: {  	_ = 	snop;
	(pc) =	sbr.rel .LBB1_4-.Ltmp4, $1  }
0x39: {  	_ =	sdelay $0x3  }
.LBB1_6:
0x3a: {  	_ =	sfence.sel $0x180000  }
0x3b: {  	s2 =	simm.s32 $0x1;
	[bflag:$0x0] =	sbarrier.arrive $0xFFFF  }
0x3c: {  	s31 =	simm.s32 $0x2;
	[sflag:s2] =	ssyncpa.u1 $0x1  }
0x3d: {  	[sflag:s31] =	ssyncpa.u1 $0x1  }
0x3e: {  	p0 =	sne.s32 s0, $0x0;
	_ =	strace $0x9000004D  }
0x3f: {  	s0 =	sadd.s32 @!p0 $0x100000, s1;
	[bflag:$0x2] =	sbarrier.arrive $0xFFFF  }
0x40: {  	[sflag:s0] =	ssyncadd.tile.s32 @!p0 $0x1;
	_ =	shalt  }
.Lfunc_end1:
_tile_overlayer_lowered:
.L_overlay_start_2:
0x41: {  	(tag) =	ssettag $0x2  }
0x42: {  	s0 =	rddreg [dreg:$0x0];
	s2 =	stileid.u32  }
0x43: {  	s1 =	rddreg [dreg:$0x1];
	p0 =	sne.s32 s2, $0x0  }
0x44: {  	s3 =	rddreg [dreg:$0x2];
	[bflag:$0x3] =	sbarrier.arrive $0xFFFF;
	s2 =	simm.s32 @!p0 $0x1C01  }
0x45: {  	[timem:s3], [sflag:s2] =	dma.local @!p0 [hbm:s0], s1  }
0x46: {  	s0 =	simm.s32 @!p0 $0x1  }
0x47: {  	_ =	swait.ge @!p0 [sflag:s0], s1  }
0x48: {  	s1 =	ssub.s32 @!p0 $0x0, s1;
	[sflag:s0] =	ssyncset.done @!p0 $0x0  }
0x49: {  	[sflag:s0] =	ssyncadd.s32 @!p0 s1  }
0x4a: {  	[bflag:$0x3] =	sbarrier.arrive $0xFFFF  }
0x4b: {  	_ =	shalt  }

</sc_bundles>
